<compile_context>
chip_gen: v7x
topology: tpu7x:2x2x1
jax: 0.10.2.dev20260603
libtpu: 0.0.44.dev20260713+nightly
codegen_flags: <defaults>
</compile_context>

<pallas_src>
import functools

import jax
import jax.numpy as jnp
from jax import lax
from jax.experimental import pallas as pl
from jax.experimental.pallas import tpu as pltpu
from jax.experimental.pallas import tpu_sc as plsc

_B, _C, _T = 16, 256, 1024
_K, _E, _G = 1024, 128, 2
_TT = 2048

_NW = 32
_EQ = 32
_NQ = _E // _EQ
_NPAIR = _B * _G
_PAIRS_PER_W = _NPAIR // (_NW // _NQ)


def _argmin_body(x_ref, cb_ref, idx_ref):
    xb = x_ref[0]
    cb = cb_ref[...]
    e2 = jnp.sum(cb * cb, axis=1)
    x2 = jnp.sum(xb * xb, axis=0)
    xe = lax.dot_general(cb, xb, (((1,), (0,)), ((), ())),
                         preferred_element_type=jnp.float32)
    s = (x2[None, :] + e2[:, None]) - 2.0 * xe
    m = jnp.min(s, axis=0)
    kio = lax.broadcasted_iota(jnp.int32, (_K, _TT), 0)
    idx_ref[0, 0, 0] = jnp.min(
        jnp.where(s == m[None, :], kio, jnp.int32(_K)), axis=0)


def _tc_argmin(xin, codebook):
    return pl.pallas_call(
        _argmin_body,
        grid=(_B,),
        in_specs=[
            pl.BlockSpec((1, _E, _TT), lambda b: (b, 0, 0)),
            pl.BlockSpec((_K, _E), lambda b: (0, 0)),
        ],
        out_specs=pl.BlockSpec((1, 1, 1, _TT), lambda b: (b, 0, 0, 0)),
        out_shape=jax.ShapeDtypeStruct((_B, 1, 1, _TT), jnp.int32),
        compiler_params=pltpu.CompilerParams(
            dimension_semantics=("parallel",),
        ),
    )(xin, codebook)


def _sc_gather_body(cbq_hbm, idx_hbm, out_hbm, cb_v, idx_v, out_v, sem):
    wid = lax.axis_index("s") * 2 + lax.axis_index("c")
    q = wid % _NQ
    pg = wid // _NQ
    pltpu.sync_copy(cbq_hbm.at[q], cb_v)
    copies = [None, None]
    for i in range(_PAIRS_PER_W):
        p = pg + 8 * i
        buf = i % 2
        pltpu.sync_copy(idx_hbm.at[p], idx_v)

        if copies[buf] is not None:
            copies[buf].wait()

        @plsc.parallel_loop(0, (_T // 16) * _EQ, unroll=16)
        def _gather(i2):
            j = lax.shift_right_logical(i2, 5)
            e = lax.bitwise_and(i2, _EQ - 1)
            fidx = idx_v[pl.ds(j * 16, 16)] + lax.shift_left(e, 10)
            out_v[buf, e, pl.ds(j * 16, 16)] = plsc.load_gather(cb_v, [fidx])

        copies[buf] = pltpu.async_copy(
            out_v.at[buf], out_hbm.at[p, pl.ds(q * _EQ, _EQ), :], sem)
    for c in copies:
        c.wait()


def _sc_gather(cbq, idx2d):
    mesh = plsc.VectorSubcoreMesh(core_axis_name="c", subcore_axis_name="s")
    k = functools.partial(
        pl.kernel,
        mesh=mesh,
        out_type=jax.ShapeDtypeStruct((_NPAIR, _E, _T), jnp.float32),
        scratch_types=[
            pltpu.VMEM((_K * _EQ,), jnp.float32),
            pltpu.VMEM((_T,), jnp.int32),
            pltpu.VMEM((2, _EQ, _T), jnp.float32),
            pltpu.SemaphoreType.DMA,
        ],
        compiler_params=pltpu.CompilerParams(needs_layout_passes=False),
    )(_sc_gather_body)
    return k(cbq, idx2d)


def kernel(x, codebook):
    xin = x.reshape(_B, _E, _G * _T)
    idx = _tc_argmin(xin, codebook)
    cbq = codebook.T.reshape(_NQ, _EQ * _K)
    q = _sc_gather(cbq, idx.reshape(_NPAIR, _T))
    quantized = q.reshape(_B, _C, _T)
    indexes = idx.reshape(_B, _G, _T).transpose(1, 0, 2)
    return quantized, indexes

# --- scband reference (transcript-rebuilt; emitter-appended) ---
"""Pipeline reference for scband-vq-35467839930710 (READ-ONLY COPY).

The authoritative reference and input builder live on the scoring server;
editing this copy changes nothing except your own understanding.
"""

import jax, jax.numpy as jnp
import numpy as np

CODEBOOK_SIZE = 1024
CODEBOOK_DIM = 256
NUM_GROUPS = 2
EMB_DIM = CODEBOOK_DIM // NUM_GROUPS  # 128


def setup_inputs(seed: int = 0) -> dict:
    key = jax.random.key(seed)
    k1, k2 = jax.random.split(key)
    x = jax.random.normal(k1, (16, 256, 1024), dtype=jnp.float32)
    codebook = jax.random.uniform(
        k2, (CODEBOOK_SIZE, EMB_DIM), dtype=jnp.float32,
        minval=-1.0 / CODEBOOK_SIZE, maxval=1.0 / CODEBOOK_SIZE)
    return {"x": x, "codebook": codebook}


def _find_closest_emb(x_group, emb):
    # x_group: [B, EMB_DIM, T], emb: [K, EMB_DIM]
    B, C, T = x_group.shape
    x_flat = jnp.transpose(x_group, (0, 2, 1)).reshape(-1, C)
    distances = (jnp.sum(x_flat ** 2, axis=1, keepdims=True)
                 + jnp.sum(emb ** 2, axis=1)
                 - 2.0 * x_flat @ emb.T)
    encoding_indices = jnp.argmin(distances, axis=1)
    return encoding_indices.reshape(B, T)


def reference(x, codebook):
    # kmeans_estimator path, num_groups > 1, shared codebook
    B, Ch, T = x.shape
    xr = x.reshape(B, EMB_DIM, NUM_GROUPS, T)
    quantized_list = []
    index_list = []
    for group in range(NUM_GROUPS):
        x_group = xr[:, :, group, :]  # [B, EMB_DIM, T]
        group_indexes = _find_closest_emb(x_group, codebook)  # [B, T] int
        group_quantized = jnp.take(codebook, group_indexes, axis=0)  # [B, T, EMB_DIM]
        quantized_list.append(group_quantized)
        index_list.append(group_indexes)
    quantized = jnp.concatenate(quantized_list, axis=2)  # [B, T, CODEBOOK_DIM]
    quantized = jnp.transpose(quantized, (0, 2, 1))  # [B, CODEBOOK_DIM, T]
    indexes = jnp.stack(index_list, axis=0)  # [NUM_GROUPS, B, T]
    return quantized, indexes

if __name__ == "__main__":
    import jax
    _d = setup_inputs()
    print(jax.jit(kernel)(*tuple(_d.values())))

</pallas_src>

<mosaic_0001>
#map = affine_map<(d0, d1) -> (0, 0)>
#map1 = affine_map<(d0, d1) -> (0, 0, 0)>
module attributes {stable_mosaic.version = 14 : i64} {
  func.func @_sc_gather_body(%arg0: i32, %arg1: i32, %arg2: memref<4x32768xf32, #tpu.memory_space<hbm>>, %arg3: memref<32x1024xi32, #tpu.memory_space<hbm>>, %arg4: memref<32x128x1024xf32, #tpu.memory_space<hbm>>, %arg5: memref<32768xf32, #tpu.memory_space<vmem>>, %arg6: memref<1024xi32, #tpu.memory_space<vmem>>, %arg7: memref<2x32x1024xf32, #tpu.memory_space<vmem>>, %arg8: memref<!tpu.dma_semaphore, #tpu.memory_space<semaphore_mem>>) attributes {dimension_semantics = [#tpu.dimension_semantics<core_parallel>, #tpu.dimension_semantics<subcore_parallel>], iteration_bounds = array<i64: 2, 16>, scalar_prefetch = 0 : i64, scratch_operands = 4 : i64, tpu.core_type = #tpu.core_type<sc_vector_subcore>, window_params = [{transform_indices = #map}, {transform_indices = #map}, {transform_indices = #map1}]} {
    %mul3A = arith.constant 2 : i32
    %mul3A_0 = arith.muli %arg1, %mul3A : i32
    %add3A = arith.addi %mul3A_0, %arg0 : i32
    %jit3A = arith.constant 4 : i32
    %eq3A = arith.constant 0 : i32
    %eq3A_1 = arith.cmpi eq, %jit3A, %eq3A : i32
    %jit3A_2 = arith.constant 1 : i32
    %select_n3A = arith.select %eq3A_1, %jit3A_2, %jit3A : i32
    %rem3A = arith.remsi %add3A, %select_n3A : i32
    %ne3A = arith.constant 0 : i32
    %ne3A_3 = arith.cmpi ne, %rem3A, %ne3A : i32
    %lt3A = arith.constant 0 : i32
    %lt3A_4 = arith.cmpi slt, %rem3A, %lt3A : i32
    %lt3A_5 = arith.constant 0 : i32
    %lt3A_6 = arith.cmpi slt, %select_n3A, %lt3A_5 : i32
    %ne3A_7 = arith.xori %lt3A_4, %lt3A_6 : i1
    %and3A = arith.andi %ne3A_7, %ne3A_3 : i1
    %add3A_8 = arith.addi %rem3A, %select_n3A : i32
    %select_n3A_9 = arith.select %and3A, %add3A_8, %rem3A : i32
    %jit3A_10 = arith.constant 4 : i32
    %div3A = arith.divsi %add3A, %jit3A_10 : i32
    %sign3A = arith.constant 0 : i32
    %sign3A_11 = arith.cmpi sgt, %add3A, %sign3A : i32
    %sign3A_12 = arith.extui %sign3A_11 : i1 to i32
    %sign3A_13 = arith.constant 0 : i32
    %sign3A_14 = arith.cmpi slt, %add3A, %sign3A_13 : i32
    %sign3A_15 = arith.extui %sign3A_14 : i1 to i32
    %sign3A_16 = arith.subi %sign3A_12, %sign3A_15 : i32
    %sign3A_17 = arith.constant 0 : i32
    %sign3A_18 = arith.cmpi sgt, %jit3A_10, %sign3A_17 : i32
    %sign3A_19 = arith.extui %sign3A_18 : i1 to i32
    %sign3A_20 = arith.constant 0 : i32
    %sign3A_21 = arith.cmpi slt, %jit3A_10, %sign3A_20 : i32
    %sign3A_22 = arith.extui %sign3A_21 : i1 to i32
    %sign3A_23 = arith.subi %sign3A_19, %sign3A_22 : i32
    %ne3A_24 = arith.cmpi ne, %sign3A_16, %sign3A_23 : i32
    %rem3A_25 = arith.remsi %add3A, %jit3A_10 : i32
    %ne3A_26 = arith.constant 0 : i32
    %ne3A_27 = arith.cmpi ne, %rem3A_25, %ne3A_26 : i32
    %and3A_28 = arith.andi %ne3A_24, %ne3A_27 : i1
    %sub3A = arith.constant 1 : i32
    %sub3A_29 = arith.subi %div3A, %sub3A : i32
    %select_n3A_30 = arith.select %and3A_28, %sub3A_29, %div3A : i32
    "tpu.region"() ({
      %run_scoped3A = tpu.sem_alloc : memref<!tpu.dma_semaphore, #tpu.memory_space<semaphore_mem>>
      %dma_start3A_176 = arith.constant 0 : i32
      %dma_start3A_177 = tpu.memref_slice %arg2[%select_n3A_9, %dma_start3A_176] : memref<4x32768xf32, #tpu.memory_space<hbm>> -> memref<1x32768xf32, #tpu.memory_space<hbm>>
      %dma_start3A_178 = tpu.memref_squeeze %dma_start3A_177 : memref<1x32768xf32, #tpu.memory_space<hbm>> -> memref<32768xf32, #tpu.memory_space<hbm>>
      %dma_start3A_179 = arith.constant 0 : i32
      %dma_start3A_180 = tpu.memref_slice %arg2[%select_n3A_9, %dma_start3A_179] : memref<4x32768xf32, #tpu.memory_space<hbm>> -> memref<1x32768xf32, #tpu.memory_space<hbm>>
      %dma_start3A_181 = tpu.memref_squeeze %dma_start3A_180 : memref<1x32768xf32, #tpu.memory_space<hbm>> -> memref<32768xf32, #tpu.memory_space<hbm>>
      tpu.enqueue_dma source(%dma_start3A_181 : memref<32768xf32, #tpu.memory_space<hbm>>) target(%arg5 : memref<32768xf32, #tpu.memory_space<vmem>>) target_semaphore(%run_scoped3A : memref<!tpu.dma_semaphore, #tpu.memory_space<semaphore_mem>>)
      %dma_wait3A_182 = arith.constant 0 : i32
      %dma_wait3A_183 = tpu.memref_slice %arg2[%select_n3A_9, %dma_wait3A_182] : memref<4x32768xf32, #tpu.memory_space<hbm>> -> memref<1x32768xf32, #tpu.memory_space<hbm>>
      %dma_wait3A_184 = tpu.memref_squeeze %dma_wait3A_183 : memref<1x32768xf32, #tpu.memory_space<hbm>> -> memref<32768xf32, #tpu.memory_space<hbm>>
      %dma_wait3A_185 = arith.constant 0 : i32
      %dma_wait3A_186 = tpu.memref_slice %arg2[%select_n3A_9, %dma_wait3A_185] : memref<4x32768xf32, #tpu.memory_space<hbm>> -> memref<1x32768xf32, #tpu.memory_space<hbm>>
      %dma_wait3A_187 = tpu.memref_squeeze %dma_wait3A_186 : memref<1x32768xf32, #tpu.memory_space<hbm>> -> memref<32768xf32, #tpu.memory_space<hbm>>
      tpu.wait_dma2 semaphore(%run_scoped3A : memref<!tpu.dma_semaphore, #tpu.memory_space<semaphore_mem>>) src(%dma_wait3A_187 : memref<32768xf32, #tpu.memory_space<hbm>>) dst(%arg5 : memref<32768xf32, #tpu.memory_space<vmem>>)
      tpu.yield
    }) : () -> ()
    %add3A_31 = arith.constant 0 : i32
    %add3A_32 = arith.addi %select_n3A_30, %add3A_31 : i32
    "tpu.region"() ({
      %run_scoped3A = tpu.sem_alloc : memref<!tpu.dma_semaphore, #tpu.memory_space<semaphore_mem>>
      %dma_start3A_176 = arith.constant 0 : i32
      %dma_start3A_177 = tpu.memref_slice %arg3[%add3A_32, %dma_start3A_176] : memref<32x1024xi32, #tpu.memory_space<hbm>> -> memref<1x1024xi32, #tpu.memory_space<hbm>>
      %dma_start3A_178 = tpu.memref_squeeze %dma_start3A_177 : memref<1x1024xi32, #tpu.memory_space<hbm>> -> memref<1024xi32, #tpu.memory_space<hbm>>
      %dma_start3A_179 = arith.constant 0 : i32
      %dma_start3A_180 = tpu.memref_slice %arg3[%add3A_32, %dma_start3A_179] : memref<32x1024xi32, #tpu.memory_space<hbm>> -> memref<1x1024xi32, #tpu.memory_space<hbm>>
      %dma_start3A_181 = tpu.memref_squeeze %dma_start3A_180 : memref<1x1024xi32, #tpu.memory_space<hbm>> -> memref<1024xi32, #tpu.memory_space<hbm>>
      tpu.enqueue_dma source(%dma_start3A_181 : memref<1024xi32, #tpu.memory_space<hbm>>) target(%arg6 : memref<1024xi32, #tpu.memory_space<vmem>>) target_semaphore(%run_scoped3A : memref<!tpu.dma_semaphore, #tpu.memory_space<semaphore_mem>>)
      %dma_wait3A_182 = arith.constant 0 : i32
      %dma_wait3A_183 = tpu.memref_slice %arg3[%add3A_32, %dma_wait3A_182] : memref<32x1024xi32, #tpu.memory_space<hbm>> -> memref<1x1024xi32, #tpu.memory_space<hbm>>
      %dma_wait3A_184 = tpu.memref_squeeze %dma_wait3A_183 : memref<1x1024xi32, #tpu.memory_space<hbm>> -> memref<1024xi32, #tpu.memory_space<hbm>>
      %dma_wait3A_185 = arith.constant 0 : i32
      %dma_wait3A_186 = tpu.memref_slice %arg3[%add3A_32, %dma_wait3A_185] : memref<32x1024xi32, #tpu.memory_space<hbm>> -> memref<1x1024xi32, #tpu.memory_space<hbm>>
      %dma_wait3A_187 = tpu.memref_squeeze %dma_wait3A_186 : memref<1x1024xi32, #tpu.memory_space<hbm>> -> memref<1024xi32, #tpu.memory_space<hbm>>
      tpu.wait_dma2 semaphore(%run_scoped3A : memref<!tpu.dma_semaphore, #tpu.memory_space<semaphore_mem>>) src(%dma_wait3A_187 : memref<1024xi32, #tpu.memory_space<hbm>>) dst(%arg6 : memref<1024xi32, #tpu.memory_space<vmem>>)
      tpu.yield
    }) : () -> ()
    %parallel_loop3A = arith.constant 0 : i32
    %parallel_loop3A_33 = arith.constant 2048 : i32
    %parallel_loop3A_34 = arith.constant 1 : i32
    scf.for %parallel_loop3A_176 = %parallel_loop3A to %parallel_loop3A_33 step %parallel_loop3A_34  : i32 {
      %parallel_loop3A_177 = arith.constant 5 : i32
      %parallel_loop3A_178 = arith.shrui %parallel_loop3A_176, %parallel_loop3A_177 : i32
      %parallel_loop3A_179 = arith.constant 31 : i32
      %parallel_loop3A_180 = arith.andi %parallel_loop3A_176, %parallel_loop3A_179 : i32
      %parallel_loop3A_181 = arith.constant 16 : i32
      %parallel_loop3A_182 = arith.muli %parallel_loop3A_178, %parallel_loop3A_181 : i32
      %parallel_loop3A_183 = arith.index_cast %parallel_loop3A_182 : i32 to index
      %parallel_loop3A_184 = tpu.vector_load %arg6[%parallel_loop3A_183] {strides = array<i32>} : memref<1024xi32, #tpu.memory_space<vmem>>, vector<16xi32>,
      %parallel_loop3A_185 = arith.constant 10 : i32
      %parallel_loop3A_186 = arith.shli %parallel_loop3A_180, %parallel_loop3A_185 : i32
      %parallel_loop3A_187 = vector.broadcast %parallel_loop3A_186 : i32 to vector<16xi32>
      %parallel_loop3A_188 = arith.addi %parallel_loop3A_184, %parallel_loop3A_187 : vector<16xi32>
      %parallel_loop3A_189 = tpu.vector_load_idx %arg5[%parallel_loop3A_188] : memref<32768xf32, #tpu.memory_space<vmem>>[vector<16xi32>], vector<16xf32>,
      %parallel_loop3A_190 = arith.constant 16 : i32
      %parallel_loop3A_191 = arith.muli %parallel_loop3A_178, %parallel_loop3A_190 : i32
      %parallel_loop3A_192 = arith.constant 0 : i32
      %parallel_loop3A_193 = arith.index_cast %parallel_loop3A_192 : i32 to index
      %parallel_loop3A_194 = arith.index_cast %parallel_loop3A_180 : i32 to index
      %parallel_loop3A_195 = arith.index_cast %parallel_loop3A_191 : i32 to index
      %parallel_loop3A_196 = tpu.vector_load %arg7[%parallel_loop3A_193, %parallel_loop3A_194, %parallel_loop3A_195] {strides = array<i32>} : memref<2x32x1024xf32, #tpu.memory_space<vmem>>, vector<16xf32>,
      tpu.vector_store %arg7[%parallel_loop3A_193, %parallel_loop3A_194, %parallel_loop3A_195], %parallel_loop3A_189 {strides = array<i32>} : memref<2x32x1024xf32, #tpu.memory_space<vmem>>, vector<16xf32>,
    } {sc.loop_unroll_factor = 16 : i64, sc.parallel_access}
    %mul3A_35 = arith.constant 32 : i32
    %mul3A_36 = arith.muli %select_n3A_9, %mul3A_35 : i32
    %dma_start3A = arith.constant 0 : i32
    %dma_start3A_37 = arith.constant 0 : i32
    %dma_start3A_38 = arith.constant 0 : i32
    %dma_start3A_39 = tpu.memref_slice %arg7[%dma_start3A, %dma_start3A_37, %dma_start3A_38] : memref<2x32x1024xf32, #tpu.memory_space<vmem>> -> memref<1x32x1024xf32, #tpu.memory_space<vmem>>
    %dma_start3A_40 = tpu.memref_squeeze %dma_start3A_39 : memref<1x32x1024xf32, #tpu.memory_space<vmem>> -> memref<32x1024xf32, #tpu.memory_space<vmem>>
    %dma_start3A_41 = arith.constant 0 : i32
    %dma_start3A_42 = tpu.memref_slice %arg4[%add3A_32, %mul3A_36, %dma_start3A_41] : memref<32x128x1024xf32, #tpu.memory_space<hbm>> -> memref<1x32x1024xf32, #tpu.memory_space<hbm>>
    %dma_start3A_43 = tpu.memref_squeeze %dma_start3A_42 : memref<1x32x1024xf32, #tpu.memory_space<hbm>> -> memref<32x1024xf32, #tpu.memory_space<hbm>>
    %dma_start3A_44 = arith.constant 0 : i32
    %dma_start3A_45 = tpu.memref_slice %arg4[%add3A_32, %mul3A_36, %dma_start3A_44] : memref<32x128x1024xf32, #tpu.memory_space<hbm>> -> memref<1x32x1024xf32, #tpu.memory_space<hbm>>
    %dma_start3A_46 = tpu.memref_squeeze %dma_start3A_45 : memref<1x32x1024xf32, #tpu.memory_space<hbm>> -> memref<32x1024xf32, #tpu.memory_space<hbm>>
    %dma_start3A_47 = arith.constant 0 : i32
    %dma_start3A_48 = arith.constant 0 : i32
    %dma_start3A_49 = tpu.memref_slice %arg7[%dma_start3A, %dma_start3A_47, %dma_start3A_48] : memref<2x32x1024xf32, #tpu.memory_space<vmem>> -> memref<1x32x1024xf32, #tpu.memory_space<vmem>>
    %dma_start3A_50 = tpu.memref_squeeze %dma_start3A_49 : memref<1x32x1024xf32, #tpu.memory_space<vmem>> -> memref<32x1024xf32, #tpu.memory_space<vmem>>
    tpu.enqueue_dma source(%dma_start3A_50 : memref<32x1024xf32, #tpu.memory_space<vmem>>) target(%dma_start3A_46 : memref<32x1024xf32, #tpu.memory_space<hbm>>) target_semaphore(%arg8 : memref<!tpu.dma_semaphore, #tpu.memory_space<semaphore_mem>>)
    %add3A_51 = arith.constant 8 : i32
    %add3A_52 = arith.addi %select_n3A_30, %add3A_51 : i32
    "tpu.region"() ({
      %run_scoped3A = tpu.sem_alloc : memref<!tpu.dma_semaphore, #tpu.memory_space<semaphore_mem>>
      %dma_start3A_176 = arith.constant 0 : i32
      %dma_start3A_177 = tpu.memref_slice %arg3[%add3A_52, %dma_start3A_176] : memref<32x1024xi32, #tpu.memory_space<hbm>> -> memref<1x1024xi32, #tpu.memory_space<hbm>>
      %dma_start3A_178 = tpu.memref_squeeze %dma_start3A_177 : memref<1x1024xi32, #tpu.memory_space<hbm>> -> memref<1024xi32, #tpu.memory_space<hbm>>
      %dma_start3A_179 = arith.constant 0 : i32
      %dma_start3A_180 = tpu.memref_slice %arg3[%add3A_52, %dma_start3A_179] : memref<32x1024xi32, #tpu.memory_space<hbm>> -> memref<1x1024xi32, #tpu.memory_space<hbm>>
      %dma_start3A_181 = tpu.memref_squeeze %dma_start3A_180 : memref<1x1024xi32, #tpu.memory_space<hbm>> -> memref<1024xi32, #tpu.memory_space<hbm>>
      tpu.enqueue_dma source(%dma_start3A_181 : memref<1024xi32, #tpu.memory_space<hbm>>) target(%arg6 : memref<1024xi32, #tpu.memory_space<vmem>>) target_semaphore(%run_scoped3A : memref<!tpu.dma_semaphore, #tpu.memory_space<semaphore_mem>>)
      %dma_wait3A_182 = arith.constant 0 : i32
      %dma_wait3A_183 = tpu.memref_slice %arg3[%add3A_52, %dma_wait3A_182] : memref<32x1024xi32, #tpu.memory_space<hbm>> -> memref<1x1024xi32, #tpu.memory_space<hbm>>
      %dma_wait3A_184 = tpu.memref_squeeze %dma_wait3A_183 : memref<1x1024xi32, #tpu.memory_space<hbm>> -> memref<1024xi32, #tpu.memory_space<hbm>>
      %dma_wait3A_185 = arith.constant 0 : i32
      %dma_wait3A_186 = tpu.memref_slice %arg3[%add3A_52, %dma_wait3A_185] : memref<32x1024xi32, #tpu.memory_space<hbm>> -> memref<1x1024xi32, #tpu.memory_space<hbm>>
      %dma_wait3A_187 = tpu.memref_squeeze %dma_wait3A_186 : memref<1x1024xi32, #tpu.memory_space<hbm>> -> memref<1024xi32, #tpu.memory_space<hbm>>
      tpu.wait_dma2 semaphore(%run_scoped3A : memref<!tpu.dma_semaphore, #tpu.memory_space<semaphore_mem>>) src(%dma_wait3A_187 : memref<1024xi32, #tpu.memory_space<hbm>>) dst(%arg6 : memref<1024xi32, #tpu.memory_space<vmem>>)
      tpu.yield
    }) : () -> ()
    %parallel_loop3A_53 = arith.constant 0 : i32
    %parallel_loop3A_54 = arith.constant 2048 : i32
    %parallel_loop3A_55 = arith.constant 1 : i32
    scf.for %parallel_loop3A_176 = %parallel_loop3A_53 to %parallel_loop3A_54 step %parallel_loop3A_55  : i32 {
      %parallel_loop3A_177 = arith.constant 5 : i32
      %parallel_loop3A_178 = arith.shrui %parallel_loop3A_176, %parallel_loop3A_177 : i32
      %parallel_loop3A_179 = arith.constant 31 : i32
      %parallel_loop3A_180 = arith.andi %parallel_loop3A_176, %parallel_loop3A_179 : i32
      %parallel_loop3A_181 = arith.constant 16 : i32
      %parallel_loop3A_182 = arith.muli %parallel_loop3A_178, %parallel_loop3A_181 : i32
      %parallel_loop3A_183 = arith.index_cast %parallel_loop3A_182 : i32 to index
      %parallel_loop3A_184 = tpu.vector_load %arg6[%parallel_loop3A_183] {strides = array<i32>} : memref<1024xi32, #tpu.memory_space<vmem>>, vector<16xi32>,
      %parallel_loop3A_185 = arith.constant 10 : i32
      %parallel_loop3A_186 = arith.shli %parallel_loop3A_180, %parallel_loop3A_185 : i32
      %parallel_loop3A_187 = vector.broadcast %parallel_loop3A_186 : i32 to vector<16xi32>
      %parallel_loop3A_188 = arith.addi %parallel_loop3A_184, %parallel_loop3A_187 : vector<16xi32>
      %parallel_loop3A_189 = tpu.vector_load_idx %arg5[%parallel_loop3A_188] : memref<32768xf32, #tpu.memory_space<vmem>>[vector<16xi32>], vector<16xf32>,
      %parallel_loop3A_190 = arith.constant 16 : i32
      %parallel_loop3A_191 = arith.muli %parallel_loop3A_178, %parallel_loop3A_190 : i32
      %parallel_loop3A_192 = arith.constant 1 : i32
      %parallel_loop3A_193 = arith.index_cast %parallel_loop3A_192 : i32 to index
      %parallel_loop3A_194 = arith.index_cast %parallel_loop3A_180 : i32 to index
      %parallel_loop3A_195 = arith.index_cast %parallel_loop3A_191 : i32 to index
      %parallel_loop3A_196 = tpu.vector_load %arg7[%parallel_loop3A_193, %parallel_loop3A_194, %parallel_loop3A_195] {strides = array<i32>} : memref<2x32x1024xf32, #tpu.memory_space<vmem>>, vector<16xf32>,
      tpu.vector_store %arg7[%parallel_loop3A_193, %parallel_loop3A_194, %parallel_loop3A_195], %parallel_loop3A_189 {strides = array<i32>} : memref<2x32x1024xf32, #tpu.memory_space<vmem>>, vector<16xf32>,
    } {sc.loop_unroll_factor = 16 : i64, sc.parallel_access}
    %mul3A_56 = arith.constant 32 : i32
    %mul3A_57 = arith.muli %select_n3A_9, %mul3A_56 : i32
    %dma_start3A_58 = arith.constant 1 : i32
    %dma_start3A_59 = arith.constant 0 : i32
    %dma_start3A_60 = arith.constant 0 : i32
    %dma_start3A_61 = tpu.memref_slice %arg7[%dma_start3A_58, %dma_start3A_59, %dma_start3A_60] : memref<2x32x1024xf32, #tpu.memory_space<vmem>> -> memref<1x32x1024xf32, #tpu.memory_space<vmem>>
    %dma_start3A_62 = tpu.memref_squeeze %dma_start3A_61 : memref<1x32x1024xf32, #tpu.memory_space<vmem>> -> memref<32x1024xf32, #tpu.memory_space<vmem>>
    %dma_start3A_63 = arith.constant 0 : i32
    %dma_start3A_64 = tpu.memref_slice %arg4[%add3A_52, %mul3A_57, %dma_start3A_63] : memref<32x128x1024xf32, #tpu.memory_space<hbm>> -> memref<1x32x1024xf32, #tpu.memory_space<hbm>>
    %dma_start3A_65 = tpu.memref_squeeze %dma_start3A_64 : memref<1x32x1024xf32, #tpu.memory_space<hbm>> -> memref<32x1024xf32, #tpu.memory_space<hbm>>
    %dma_start3A_66 = arith.constant 0 : i32
    %dma_start3A_67 = tpu.memref_slice %arg4[%add3A_52, %mul3A_57, %dma_start3A_66] : memref<32x128x1024xf32, #tpu.memory_space<hbm>> -> memref<1x32x1024xf32, #tpu.memory_space<hbm>>
    %dma_start3A_68 = tpu.memref_squeeze %dma_start3A_67 : memref<1x32x1024xf32, #tpu.memory_space<hbm>> -> memref<32x1024xf32, #tpu.memory_space<hbm>>
    %dma_start3A_69 = arith.constant 0 : i32
    %dma_start3A_70 = arith.constant 0 : i32
    %dma_start3A_71 = tpu.memref_slice %arg7[%dma_start3A_58, %dma_start3A_69, %dma_start3A_70] : memref<2x32x1024xf32, #tpu.memory_space<vmem>> -> memref<1x32x1024xf32, #tpu.memory_space<vmem>>
    %dma_start3A_72 = tpu.memref_squeeze %dma_start3A_71 : memref<1x32x1024xf32, #tpu.memory_space<vmem>> -> memref<32x1024xf32, #tpu.memory_space<vmem>>
    tpu.enqueue_dma source(%dma_start3A_72 : memref<32x1024xf32, #tpu.memory_space<vmem>>) target(%dma_start3A_68 : memref<32x1024xf32, #tpu.memory_space<hbm>>) target_semaphore(%arg8 : memref<!tpu.dma_semaphore, #tpu.memory_space<semaphore_mem>>)
    %add3A_73 = arith.constant 16 : i32
    %add3A_74 = arith.addi %select_n3A_30, %add3A_73 : i32
    "tpu.region"() ({
      %run_scoped3A = tpu.sem_alloc : memref<!tpu.dma_semaphore, #tpu.memory_space<semaphore_mem>>
      %dma_start3A_176 = arith.constant 0 : i32
      %dma_start3A_177 = tpu.memref_slice %arg3[%add3A_74, %dma_start3A_176] : memref<32x1024xi32, #tpu.memory_space<hbm>> -> memref<1x1024xi32, #tpu.memory_space<hbm>>
      %dma_start3A_178 = tpu.memref_squeeze %dma_start3A_177 : memref<1x1024xi32, #tpu.memory_space<hbm>> -> memref<1024xi32, #tpu.memory_space<hbm>>
      %dma_start3A_179 = arith.constant 0 : i32
      %dma_start3A_180 = tpu.memref_slice %arg3[%add3A_74, %dma_start3A_179] : memref<32x1024xi32, #tpu.memory_space<hbm>> -> memref<1x1024xi32, #tpu.memory_space<hbm>>
      %dma_start3A_181 = tpu.memref_squeeze %dma_start3A_180 : memref<1x1024xi32, #tpu.memory_space<hbm>> -> memref<1024xi32, #tpu.memory_space<hbm>>
      tpu.enqueue_dma source(%dma_start3A_181 : memref<1024xi32, #tpu.memory_space<hbm>>) target(%arg6 : memref<1024xi32, #tpu.memory_space<vmem>>) target_semaphore(%run_scoped3A : memref<!tpu.dma_semaphore, #tpu.memory_space<semaphore_mem>>)
      %dma_wait3A_182 = arith.constant 0 : i32
      %dma_wait3A_183 = tpu.memref_slice %arg3[%add3A_74, %dma_wait3A_182] : memref<32x1024xi32, #tpu.memory_space<hbm>> -> memref<1x1024xi32, #tpu.memory_space<hbm>>
      %dma_wait3A_184 = tpu.memref_squeeze %dma_wait3A_183 : memref<1x1024xi32, #tpu.memory_space<hbm>> -> memref<1024xi32, #tpu.memory_space<hbm>>
      %dma_wait3A_185 = arith.constant 0 : i32
      %dma_wait3A_186 = tpu.memref_slice %arg3[%add3A_74, %dma_wait3A_185] : memref<32x1024xi32, #tpu.memory_space<hbm>> -> memref<1x1024xi32, #tpu.memory_space<hbm>>
      %dma_wait3A_187 = tpu.memref_squeeze %dma_wait3A_186 : memref<1x1024xi32, #tpu.memory_space<hbm>> -> memref<1024xi32, #tpu.memory_space<hbm>>
      tpu.wait_dma2 semaphore(%run_scoped3A : memref<!tpu.dma_semaphore, #tpu.memory_space<semaphore_mem>>) src(%dma_wait3A_187 : memref<1024xi32, #tpu.memory_space<hbm>>) dst(%arg6 : memref<1024xi32, #tpu.memory_space<vmem>>)
      tpu.yield
    }) : () -> ()
    %dma_wait3A = arith.constant 0 : i32
    %dma_wait3A_75 = arith.constant 0 : i32
    %dma_wait3A_76 = arith.constant 0 : i32
    %dma_wait3A_77 = tpu.memref_slice %arg7[%dma_wait3A, %dma_wait3A_75, %dma_wait3A_76] : memref<2x32x1024xf32, #tpu.memory_space<vmem>> -> memref<1x32x1024xf32, #tpu.memory_space<vmem>>
    %dma_wait3A_78 = tpu.memref_squeeze %dma_wait3A_77 : memref<1x32x1024xf32, #tpu.memory_space<vmem>> -> memref<32x1024xf32, #tpu.memory_space<vmem>>
    %dma_wait3A_79 = arith.constant 0 : i32
    %dma_wait3A_80 = tpu.memref_slice %arg4[%add3A_32, %mul3A_36, %dma_wait3A_79] : memref<32x128x1024xf32, #tpu.memory_space<hbm>> -> memref<1x32x1024xf32, #tpu.memory_space<hbm>>
    %dma_wait3A_81 = tpu.memref_squeeze %dma_wait3A_80 : memref<1x32x1024xf32, #tpu.memory_space<hbm>> -> memref<32x1024xf32, #tpu.memory_space<hbm>>
    %dma_wait3A_82 = arith.constant 0 : i32
    %dma_wait3A_83 = tpu.memref_slice %arg4[%add3A_32, %mul3A_36, %dma_wait3A_82] : memref<32x128x1024xf32, #tpu.memory_space<hbm>> -> memref<1x32x1024xf32, #tpu.memory_space<hbm>>
    %dma_wait3A_84 = tpu.memref_squeeze %dma_wait3A_83 : memref<1x32x1024xf32, #tpu.memory_space<hbm>> -> memref<32x1024xf32, #tpu.memory_space<hbm>>
    %dma_wait3A_85 = arith.constant 0 : i32
    %dma_wait3A_86 = arith.constant 0 : i32
    %dma_wait3A_87 = tpu.memref_slice %arg7[%dma_wait3A, %dma_wait3A_85, %dma_wait3A_86] : memref<2x32x1024xf32, #tpu.memory_space<vmem>> -> memref<1x32x1024xf32, #tpu.memory_space<vmem>>
    %dma_wait3A_88 = tpu.memref_squeeze %dma_wait3A_87 : memref<1x32x1024xf32, #tpu.memory_space<vmem>> -> memref<32x1024xf32, #tpu.memory_space<vmem>>
    tpu.wait_dma2 semaphore(%arg8 : memref<!tpu.dma_semaphore, #tpu.memory_space<semaphore_mem>>) src(%dma_wait3A_88 : memref<32x1024xf32, #tpu.memory_space<vmem>>) dst(%dma_wait3A_84 : memref<32x1024xf32, #tpu.memory_space<hbm>>)
    %parallel_loop3A_89 = arith.constant 0 : i32
    %parallel_loop3A_90 = arith.constant 2048 : i32
    %parallel_loop3A_91 = arith.constant 1 : i32
    scf.for %parallel_loop3A_176 = %parallel_loop3A_89 to %parallel_loop3A_90 step %parallel_loop3A_91  : i32 {
      %parallel_loop3A_177 = arith.constant 5 : i32
      %parallel_loop3A_178 = arith.shrui %parallel_loop3A_176, %parallel_loop3A_177 : i32
      %parallel_loop3A_179 = arith.constant 31 : i32
      %parallel_loop3A_180 = arith.andi %parallel_loop3A_176, %parallel_loop3A_179 : i32
      %parallel_loop3A_181 = arith.constant 16 : i32
      %parallel_loop3A_182 = arith.muli %parallel_loop3A_178, %parallel_loop3A_181 : i32
      %parallel_loop3A_183 = arith.index_cast %parallel_loop3A_182 : i32 to index
      %parallel_loop3A_184 = tpu.vector_load %arg6[%parallel_loop3A_183] {strides = array<i32>} : memref<1024xi32, #tpu.memory_space<vmem>>, vector<16xi32>,
      %parallel_loop3A_185 = arith.constant 10 : i32
      %parallel_loop3A_186 = arith.shli %parallel_loop3A_180, %parallel_loop3A_185 : i32
      %parallel_loop3A_187 = vector.broadcast %parallel_loop3A_186 : i32 to vector<16xi32>
      %parallel_loop3A_188 = arith.addi %parallel_loop3A_184, %parallel_loop3A_187 : vector<16xi32>
      %parallel_loop3A_189 = tpu.vector_load_idx %arg5[%parallel_loop3A_188] : memref<32768xf32, #tpu.memory_space<vmem>>[vector<16xi32>], vector<16xf32>,
      %parallel_loop3A_190 = arith.constant 16 : i32
      %parallel_loop3A_191 = arith.muli %parallel_loop3A_178, %parallel_loop3A_190 : i32
      %parallel_loop3A_192 = arith.constant 0 : i32
      %parallel_loop3A_193 = arith.index_cast %parallel_loop3A_192 : i32 to index
      %parallel_loop3A_194 = arith.index_cast %parallel_loop3A_180 : i32 to index
      %parallel_loop3A_195 = arith.index_cast %parallel_loop3A_191 : i32 to index
      %parallel_loop3A_196 = tpu.vector_load %arg7[%parallel_loop3A_193, %parallel_loop3A_194, %parallel_loop3A_195] {strides = array<i32>} : memref<2x32x1024xf32, #tpu.memory_space<vmem>>, vector<16xf32>,
      tpu.vector_store %arg7[%parallel_loop3A_193, %parallel_loop3A_194, %parallel_loop3A_195], %parallel_loop3A_189 {strides = array<i32>} : memref<2x32x1024xf32, #tpu.memory_space<vmem>>, vector<16xf32>,
    } {sc.loop_unroll_factor = 16 : i64, sc.parallel_access}
    %mul3A_92 = arith.constant 32 : i32
    %mul3A_93 = arith.muli %select_n3A_9, %mul3A_92 : i32
    %dma_start3A_94 = arith.constant 0 : i32
    %dma_start3A_95 = arith.constant 0 : i32
    %dma_start3A_96 = arith.constant 0 : i32
    %dma_start3A_97 = tpu.memref_slice %arg7[%dma_start3A_94, %dma_start3A_95, %dma_start3A_96] : memref<2x32x1024xf32, #tpu.memory_space<vmem>> -> memref<1x32x1024xf32, #tpu.memory_space<vmem>>
    %dma_start3A_98 = tpu.memref_squeeze %dma_start3A_97 : memref<1x32x1024xf32, #tpu.memory_space<vmem>> -> memref<32x1024xf32, #tpu.memory_space<vmem>>
    %dma_start3A_99 = arith.constant 0 : i32
    %dma_start3A_100 = tpu.memref_slice %arg4[%add3A_74, %mul3A_93, %dma_start3A_99] : memref<32x128x1024xf32, #tpu.memory_space<hbm>> -> memref<1x32x1024xf32, #tpu.memory_space<hbm>>
    %dma_start3A_101 = tpu.memref_squeeze %dma_start3A_100 : memref<1x32x1024xf32, #tpu.memory_space<hbm>> -> memref<32x1024xf32, #tpu.memory_space<hbm>>
    %dma_start3A_102 = arith.constant 0 : i32
    %dma_start3A_103 = tpu.memref_slice %arg4[%add3A_74, %mul3A_93, %dma_start3A_102] : memref<32x128x1024xf32, #tpu.memory_space<hbm>> -> memref<1x32x1024xf32, #tpu.memory_space<hbm>>
    %dma_start3A_104 = tpu.memref_squeeze %dma_start3A_103 : memref<1x32x1024xf32, #tpu.memory_space<hbm>> -> memref<32x1024xf32, #tpu.memory_space<hbm>>
    %dma_start3A_105 = arith.constant 0 : i32
    %dma_start3A_106 = arith.constant 0 : i32
    %dma_start3A_107 = tpu.memref_slice %arg7[%dma_start3A_94, %dma_start3A_105, %dma_start3A_106] : memref<2x32x1024xf32, #tpu.memory_space<vmem>> -> memref<1x32x1024xf32, #tpu.memory_space<vmem>>
    %dma_start3A_108 = tpu.memref_squeeze %dma_start3A_107 : memref<1x32x1024xf32, #tpu.memory_space<vmem>> -> memref<32x1024xf32, #tpu.memory_space<vmem>>
    tpu.enqueue_dma source(%dma_start3A_108 : memref<32x1024xf32, #tpu.memory_space<vmem>>) target(%dma_start3A_104 : memref<32x1024xf32, #tpu.memory_space<hbm>>) target_semaphore(%arg8 : memref<!tpu.dma_semaphore, #tpu.memory_space<semaphore_mem>>)
    %add3A_109 = arith.constant 24 : i32
    %add3A_110 = arith.addi %select_n3A_30, %add3A_109 : i32
    "tpu.region"() ({
      %run_scoped3A = tpu.sem_alloc : memref<!tpu.dma_semaphore, #tpu.memory_space<semaphore_mem>>
      %dma_start3A_176 = arith.constant 0 : i32
      %dma_start3A_177 = tpu.memref_slice %arg3[%add3A_110, %dma_start3A_176] : memref<32x1024xi32, #tpu.memory_space<hbm>> -> memref<1x1024xi32, #tpu.memory_space<hbm>>
      %dma_start3A_178 = tpu.memref_squeeze %dma_start3A_177 : memref<1x1024xi32, #tpu.memory_space<hbm>> -> memref<1024xi32, #tpu.memory_space<hbm>>
      %dma_start3A_179 = arith.constant 0 : i32
      %dma_start3A_180 = tpu.memref_slice %arg3[%add3A_110, %dma_start3A_179] : memref<32x1024xi32, #tpu.memory_space<hbm>> -> memref<1x1024xi32, #tpu.memory_space<hbm>>
      %dma_start3A_181 = tpu.memref_squeeze %dma_start3A_180 : memref<1x1024xi32, #tpu.memory_space<hbm>> -> memref<1024xi32, #tpu.memory_space<hbm>>
      tpu.enqueue_dma source(%dma_start3A_181 : memref<1024xi32, #tpu.memory_space<hbm>>) target(%arg6 : memref<1024xi32, #tpu.memory_space<vmem>>) target_semaphore(%run_scoped3A : memref<!tpu.dma_semaphore, #tpu.memory_space<semaphore_mem>>)
      %dma_wait3A_182 = arith.constant 0 : i32
      %dma_wait3A_183 = tpu.memref_slice %arg3[%add3A_110, %dma_wait3A_182] : memref<32x1024xi32, #tpu.memory_space<hbm>> -> memref<1x1024xi32, #tpu.memory_space<hbm>>
      %dma_wait3A_184 = tpu.memref_squeeze %dma_wait3A_183 : memref<1x1024xi32, #tpu.memory_space<hbm>> -> memref<1024xi32, #tpu.memory_space<hbm>>
      %dma_wait3A_185 = arith.constant 0 : i32
      %dma_wait3A_186 = tpu.memref_slice %arg3[%add3A_110, %dma_wait3A_185] : memref<32x1024xi32, #tpu.memory_space<hbm>> -> memref<1x1024xi32, #tpu.memory_space<hbm>>
      %dma_wait3A_187 = tpu.memref_squeeze %dma_wait3A_186 : memref<1x1024xi32, #tpu.memory_space<hbm>> -> memref<1024xi32, #tpu.memory_space<hbm>>
      tpu.wait_dma2 semaphore(%run_scoped3A : memref<!tpu.dma_semaphore, #tpu.memory_space<semaphore_mem>>) src(%dma_wait3A_187 : memref<1024xi32, #tpu.memory_space<hbm>>) dst(%arg6 : memref<1024xi32, #tpu.memory_space<vmem>>)
      tpu.yield
    }) : () -> ()
    %dma_wait3A_111 = arith.constant 1 : i32
    %dma_wait3A_112 = arith.constant 0 : i32
    %dma_wait3A_113 = arith.constant 0 : i32
    %dma_wait3A_114 = tpu.memref_slice %arg7[%dma_wait3A_111, %dma_wait3A_112, %dma_wait3A_113] : memref<2x32x1024xf32, #tpu.memory_space<vmem>> -> memref<1x32x1024xf32, #tpu.memory_space<vmem>>
    %dma_wait3A_115 = tpu.memref_squeeze %dma_wait3A_114 : memref<1x32x1024xf32, #tpu.memory_space<vmem>> -> memref<32x1024xf32, #tpu.memory_space<vmem>>
    %dma_wait3A_116 = arith.constant 0 : i32
    %dma_wait3A_117 = tpu.memref_slice %arg4[%add3A_52, %mul3A_57, %dma_wait3A_116] : memref<32x128x1024xf32, #tpu.memory_space<hbm>> -> memref<1x32x1024xf32, #tpu.memory_space<hbm>>
    %dma_wait3A_118 = tpu.memref_squeeze %dma_wait3A_117 : memref<1x32x1024xf32, #tpu.memory_space<hbm>> -> memref<32x1024xf32, #tpu.memory_space<hbm>>
    %dma_wait3A_119 = arith.constant 0 : i32
    %dma_wait3A_120 = tpu.memref_slice %arg4[%add3A_52, %mul3A_57, %dma_wait3A_119] : memref<32x128x1024xf32, #tpu.memory_space<hbm>> -> memref<1x32x1024xf32, #tpu.memory_space<hbm>>
    %dma_wait3A_121 = tpu.memref_squeeze %dma_wait3A_120 : memref<1x32x1024xf32, #tpu.memory_space<hbm>> -> memref<32x1024xf32, #tpu.memory_space<hbm>>
    %dma_wait3A_122 = arith.constant 0 : i32
    %dma_wait3A_123 = arith.constant 0 : i32
    %dma_wait3A_124 = tpu.memref_slice %arg7[%dma_wait3A_111, %dma_wait3A_122, %dma_wait3A_123] : memref<2x32x1024xf32, #tpu.memory_space<vmem>> -> memref<1x32x1024xf32, #tpu.memory_space<vmem>>
    %dma_wait3A_125 = tpu.memref_squeeze %dma_wait3A_124 : memref<1x32x1024xf32, #tpu.memory_space<vmem>> -> memref<32x1024xf32, #tpu.memory_space<vmem>>
    tpu.wait_dma2 semaphore(%arg8 : memref<!tpu.dma_semaphore, #tpu.memory_space<semaphore_mem>>) src(%dma_wait3A_125 : memref<32x1024xf32, #tpu.memory_space<vmem>>) dst(%dma_wait3A_121 : memref<32x1024xf32, #tpu.memory_space<hbm>>)
    %parallel_loop3A_126 = arith.constant 0 : i32
    %parallel_loop3A_127 = arith.constant 2048 : i32
    %parallel_loop3A_128 = arith.constant 1 : i32
    scf.for %parallel_loop3A_176 = %parallel_loop3A_126 to %parallel_loop3A_127 step %parallel_loop3A_128  : i32 {
      %parallel_loop3A_177 = arith.constant 5 : i32
      %parallel_loop3A_178 = arith.shrui %parallel_loop3A_176, %parallel_loop3A_177 : i32
      %parallel_loop3A_179 = arith.constant 31 : i32
      %parallel_loop3A_180 = arith.andi %parallel_loop3A_176, %parallel_loop3A_179 : i32
      %parallel_loop3A_181 = arith.constant 16 : i32
      %parallel_loop3A_182 = arith.muli %parallel_loop3A_178, %parallel_loop3A_181 : i32
      %parallel_loop3A_183 = arith.index_cast %parallel_loop3A_182 : i32 to index
      %parallel_loop3A_184 = tpu.vector_load %arg6[%parallel_loop3A_183] {strides = array<i32>} : memref<1024xi32, #tpu.memory_space<vmem>>, vector<16xi32>,
      %parallel_loop3A_185 = arith.constant 10 : i32
      %parallel_loop3A_186 = arith.shli %parallel_loop3A_180, %parallel_loop3A_185 : i32
      %parallel_loop3A_187 = vector.broadcast %parallel_loop3A_186 : i32 to vector<16xi32>
      %parallel_loop3A_188 = arith.addi %parallel_loop3A_184, %parallel_loop3A_187 : vector<16xi32>
      %parallel_loop3A_189 = tpu.vector_load_idx %arg5[%parallel_loop3A_188] : memref<32768xf32, #tpu.memory_space<vmem>>[vector<16xi32>], vector<16xf32>,
      %parallel_loop3A_190 = arith.constant 16 : i32
      %parallel_loop3A_191 = arith.muli %parallel_loop3A_178, %parallel_loop3A_190 : i32
      %parallel_loop3A_192 = arith.constant 1 : i32
      %parallel_loop3A_193 = arith.index_cast %parallel_loop3A_192 : i32 to index
      %parallel_loop3A_194 = arith.index_cast %parallel_loop3A_180 : i32 to index
      %parallel_loop3A_195 = arith.index_cast %parallel_loop3A_191 : i32 to index
      %parallel_loop3A_196 = tpu.vector_load %arg7[%parallel_loop3A_193, %parallel_loop3A_194, %parallel_loop3A_195] {strides = array<i32>} : memref<2x32x1024xf32, #tpu.memory_space<vmem>>, vector<16xf32>,
      tpu.vector_store %arg7[%parallel_loop3A_193, %parallel_loop3A_194, %parallel_loop3A_195], %parallel_loop3A_189 {strides = array<i32>} : memref<2x32x1024xf32, #tpu.memory_space<vmem>>, vector<16xf32>,
    } {sc.loop_unroll_factor = 16 : i64, sc.parallel_access}
    %mul3A_129 = arith.constant 32 : i32
    %mul3A_130 = arith.muli %select_n3A_9, %mul3A_129 : i32
    %dma_start3A_131 = arith.constant 1 : i32
    %dma_start3A_132 = arith.constant 0 : i32
    %dma_start3A_133 = arith.constant 0 : i32
    %dma_start3A_134 = tpu.memref_slice %arg7[%dma_start3A_131, %dma_start3A_132, %dma_start3A_133] : memref<2x32x1024xf32, #tpu.memory_space<vmem>> -> memref<1x32x1024xf32, #tpu.memory_space<vmem>>
    %dma_start3A_135 = tpu.memref_squeeze %dma_start3A_134 : memref<1x32x1024xf32, #tpu.memory_space<vmem>> -> memref<32x1024xf32, #tpu.memory_space<vmem>>
    %dma_start3A_136 = arith.constant 0 : i32
    %dma_start3A_137 = tpu.memref_slice %arg4[%add3A_110, %mul3A_130, %dma_start3A_136] : memref<32x128x1024xf32, #tpu.memory_space<hbm>> -> memref<1x32x1024xf32, #tpu.memory_space<hbm>>
    %dma_start3A_138 = tpu.memref_squeeze %dma_start3A_137 : memref<1x32x1024xf32, #tpu.memory_space<hbm>> -> memref<32x1024xf32, #tpu.memory_space<hbm>>
    %dma_start3A_139 = arith.constant 0 : i32
    %dma_start3A_140 = tpu.memref_slice %arg4[%add3A_110, %mul3A_130, %dma_start3A_139] : memref<32x128x1024xf32, #tpu.memory_space<hbm>> -> memref<1x32x1024xf32, #tpu.memory_space<hbm>>
    %dma_start3A_141 = tpu.memref_squeeze %dma_start3A_140 : memref<1x32x1024xf32, #tpu.memory_space<hbm>> -> memref<32x1024xf32, #tpu.memory_space<hbm>>
    %dma_start3A_142 = arith.constant 0 : i32
    %dma_start3A_143 = arith.constant 0 : i32
    %dma_start3A_144 = tpu.memref_slice %arg7[%dma_start3A_131, %dma_start3A_142, %dma_start3A_143] : memref<2x32x1024xf32, #tpu.memory_space<vmem>> -> memref<1x32x1024xf32, #tpu.memory_space<vmem>>
    %dma_start3A_145 = tpu.memref_squeeze %dma_start3A_144 : memref<1x32x1024xf32, #tpu.memory_space<vmem>> -> memref<32x1024xf32, #tpu.memory_space<vmem>>
    tpu.enqueue_dma source(%dma_start3A_145 : memref<32x1024xf32, #tpu.memory_space<vmem>>) target(%dma_start3A_141 : memref<32x1024xf32, #tpu.memory_space<hbm>>) target_semaphore(%arg8 : memref<!tpu.dma_semaphore, #tpu.memory_space<semaphore_mem>>)
    %dma_wait3A_146 = arith.constant 0 : i32
    %dma_wait3A_147 = arith.constant 0 : i32
    %dma_wait3A_148 = arith.constant 0 : i32
    %dma_wait3A_149 = tpu.memref_slice %arg7[%dma_wait3A_146, %dma_wait3A_147, %dma_wait3A_148] : memref<2x32x1024xf32, #tpu.memory_space<vmem>> -> memref<1x32x1024xf32, #tpu.memory_space<vmem>>
    %dma_wait3A_150 = tpu.memref_squeeze %dma_wait3A_149 : memref<1x32x1024xf32, #tpu.memory_space<vmem>> -> memref<32x1024xf32, #tpu.memory_space<vmem>>
    %dma_wait3A_151 = arith.constant 0 : i32
    %dma_wait3A_152 = tpu.memref_slice %arg4[%add3A_74, %mul3A_93, %dma_wait3A_151] : memref<32x128x1024xf32, #tpu.memory_space<hbm>> -> memref<1x32x1024xf32, #tpu.memory_space<hbm>>
    %dma_wait3A_153 = tpu.memref_squeeze %dma_wait3A_152 : memref<1x32x1024xf32, #tpu.memory_space<hbm>> -> memref<32x1024xf32, #tpu.memory_space<hbm>>
    %dma_wait3A_154 = arith.constant 0 : i32
    %dma_wait3A_155 = tpu.memref_slice %arg4[%add3A_74, %mul3A_93, %dma_wait3A_154] : memref<32x128x1024xf32, #tpu.memory_space<hbm>> -> memref<1x32x1024xf32, #tpu.memory_space<hbm>>
    %dma_wait3A_156 = tpu.memref_squeeze %dma_wait3A_155 : memref<1x32x1024xf32, #tpu.memory_space<hbm>> -> memref<32x1024xf32, #tpu.memory_space<hbm>>
    %dma_wait3A_157 = arith.constant 0 : i32
    %dma_wait3A_158 = arith.constant 0 : i32
    %dma_wait3A_159 = tpu.memref_slice %arg7[%dma_wait3A_146, %dma_wait3A_157, %dma_wait3A_158] : memref<2x32x1024xf32, #tpu.memory_space<vmem>> -> memref<1x32x1024xf32, #tpu.memory_space<vmem>>
    %dma_wait3A_160 = tpu.memref_squeeze %dma_wait3A_159 : memref<1x32x1024xf32, #tpu.memory_space<vmem>> -> memref<32x1024xf32, #tpu.memory_space<vmem>>
    tpu.wait_dma2 semaphore(%arg8 : memref<!tpu.dma_semaphore, #tpu.memory_space<semaphore_mem>>) src(%dma_wait3A_160 : memref<32x1024xf32, #tpu.memory_space<vmem>>) dst(%dma_wait3A_156 : memref<32x1024xf32, #tpu.memory_space<hbm>>)
    %dma_wait3A_161 = arith.constant 1 : i32
    %dma_wait3A_162 = arith.constant 0 : i32
    %dma_wait3A_163 = arith.constant 0 : i32
    %dma_wait3A_164 = tpu.memref_slice %arg7[%dma_wait3A_161, %dma_wait3A_162, %dma_wait3A_163] : memref<2x32x1024xf32, #tpu.memory_space<vmem>> -> memref<1x32x1024xf32, #tpu.memory_space<vmem>>
    %dma_wait3A_165 = tpu.memref_squeeze %dma_wait3A_164 : memref<1x32x1024xf32, #tpu.memory_space<vmem>> -> memref<32x1024xf32, #tpu.memory_space<vmem>>
    %dma_wait3A_166 = arith.constant 0 : i32
    %dma_wait3A_167 = tpu.memref_slice %arg4[%add3A_110, %mul3A_130, %dma_wait3A_166] : memref<32x128x1024xf32, #tpu.memory_space<hbm>> -> memref<1x32x1024xf32, #tpu.memory_space<hbm>>
    %dma_wait3A_168 = tpu.memref_squeeze %dma_wait3A_167 : memref<1x32x1024xf32, #tpu.memory_space<hbm>> -> memref<32x1024xf32, #tpu.memory_space<hbm>>
    %dma_wait3A_169 = arith.constant 0 : i32
    %dma_wait3A_170 = tpu.memref_slice %arg4[%add3A_110, %mul3A_130, %dma_wait3A_169] : memref<32x128x1024xf32, #tpu.memory_space<hbm>> -> memref<1x32x1024xf32, #tpu.memory_space<hbm>>
    %dma_wait3A_171 = tpu.memref_squeeze %dma_wait3A_170 : memref<1x32x1024xf32, #tpu.memory_space<hbm>> -> memref<32x1024xf32, #tpu.memory_space<hbm>>
    %dma_wait3A_172 = arith.constant 0 : i32
    %dma_wait3A_173 = arith.constant 0 : i32
    %dma_wait3A_174 = tpu.memref_slice %arg7[%dma_wait3A_161, %dma_wait3A_172, %dma_wait3A_173] : memref<2x32x1024xf32, #tpu.memory_space<vmem>> -> memref<1x32x1024xf32, #tpu.memory_space<vmem>>
    %dma_wait3A_175 = tpu.memref_squeeze %dma_wait3A_174 : memref<1x32x1024xf32, #tpu.memory_space<vmem>> -> memref<32x1024xf32, #tpu.memory_space<vmem>>
    tpu.wait_dma2 semaphore(%arg8 : memref<!tpu.dma_semaphore, #tpu.memory_space<semaphore_mem>>) src(%dma_wait3A_175 : memref<32x1024xf32, #tpu.memory_space<vmem>>) dst(%dma_wait3A_171 : memref<32x1024xf32, #tpu.memory_space<hbm>>)
    return
  }
}

module attributes {stable_mosaic.version = 14 : i64} {
  func.func @_argmin_body(%arg0: i32, %arg1: memref<1x128x2048xf32, #tpu.memory_space<vmem>>, %arg2: memref<1024x128xf32, #tpu.memory_space<vmem>>, %arg3: memref<1x1x1x2048xi32, #tpu.memory_space<vmem>>) attributes {dimension_semantics = [#tpu.dimension_semantics<parallel>], iteration_bounds = array<i64: 16>, scalar_prefetch = 0 : i64, scratch_operands = 0 : i64, tpu.core_type = #tpu.core_type<tc>, window_params = [{transform_indices = @transform_0, window_bounds = array<i64: 1, 128, 2048>}, {pipeline_mode = #tpu.pipeline_mode<synchronous>, transform_indices = @transform_1, window_bounds = array<i64: 1024, 128>}, {transform_indices = @transform_2, window_bounds = array<i64: 1, 1, 1, 2048>}]} {
    %get3A = arith.constant 0 : index
    %get3A_0 = arith.constant 0 : index
    %get3A_1 = arith.constant 0 : index
    %get3A_2 = vector.load %arg1[%get3A, %get3A_0, %get3A_1] : memref<1x128x2048xf32, #tpu.memory_space<vmem>>, vector<1x128x2048xf32>
    %get3A_3 = vector.shape_cast %get3A_2 : vector<1x128x2048xf32> to vector<128x2048xf32>
    %get3A_4 = arith.constant 0 : index
    %get3A_5 = arith.constant 0 : index
    %get3A_6 = vector.load %arg2[%get3A_4, %get3A_5] : memref<1024x128xf32, #tpu.memory_space<vmem>>, vector<1024x128xf32>
    %mul3A = arith.mulf %get3A_6, %get3A_6 : vector<1024x128xf32>
    %reduce_sum3A = arith.constant dense<0.000000e+00> : vector<1024xf32>
    %reduce_sum3A_7 = vector.multi_reduction <add>, %mul3A, %reduce_sum3A [1] : vector<1024x128xf32> to vector<1024xf32>
    %mul3A_8 = arith.mulf %get3A_3, %get3A_3 : vector<128x2048xf32>
    %reduce_sum3A_9 = arith.constant dense<0.000000e+00> : vector<2048xf32>
    %reduce_sum3A_10 = vector.multi_reduction <add>, %mul3A_8, %reduce_sum3A_9 [0] : vector<128x2048xf32> to vector<2048xf32>
    %dot_general3A = arith.constant dense<0.000000e+00> : vector<1024x2048xf32>
    %dot_general3A_11 = tpu.matmul %get3A_6, %get3A_3, %dot_general3A {dimension_numbers = #tpu.dot_dimension_numbers<[1], [0], [0], [1], [0, 0, 1, 1], [], []>, transpose_lhs_hint = false} : vector<1024x128xf32>, vector<128x2048xf32>, vector<1024x2048xf32> -> vector<1024x2048xf32>
    %broadcast_in_dim3A = vector.shape_cast %reduce_sum3A_10 : vector<2048xf32> to vector<1x2048xf32>
    %broadcast_in_dim3A_12 = vector.shape_cast %reduce_sum3A_7 : vector<1024xf32> to vector<1024x1xf32>
    %add3A = vector.broadcast %broadcast_in_dim3A : vector<1x2048xf32> to vector<1024x2048xf32>
    %add3A_13 = vector.broadcast %broadcast_in_dim3A_12 : vector<1024x1xf32> to vector<1024x2048xf32>
    %add3A_14 = arith.addf %add3A, %add3A_13 : vector<1024x2048xf32>
    %mul3A_15 = arith.constant 2.000000e+00 : f32
    %mul3A_16 = vector.broadcast %mul3A_15 : f32 to vector<1024x2048xf32>
    %mul3A_17 = arith.mulf %mul3A_16, %dot_general3A_11 : vector<1024x2048xf32>
    %sub3A = arith.subf %add3A_14, %mul3A_17 : vector<1024x2048xf32>
    %reduce_min3A = arith.constant dense<0x7F800000> : vector<2048xf32>
    %reduce_min3A_18 = vector.multi_reduction <minimumf>, %sub3A, %reduce_min3A [0] : vector<1024x2048xf32> to vector<2048xf32>
    %iota3A = tpu.iota {dimensions = array<i32: 0>} : vector<1024x2048xi32>
    %broadcast_in_dim3A_19 = vector.shape_cast %reduce_min3A_18 : vector<2048xf32> to vector<1x2048xf32>
    %eq3A = vector.broadcast %broadcast_in_dim3A_19 : vector<1x2048xf32> to vector<1024x2048xf32>
    %eq3A_20 = arith.cmpf oeq, %sub3A, %eq3A : vector<1024x2048xf32>
    %jit3A = arith.constant 1024 : i32
    %broadcast_in_dim3A_21 = vector.broadcast %jit3A : i32 to vector<1024x2048xi32>
    %select_n3A = arith.select %eq3A_20, %iota3A, %broadcast_in_dim3A_21 : vector<1024x2048xi1>, vector<1024x2048xi32>
    %reduce_min3A_22 = arith.constant dense<2147483647> : vector<2048xi32>
    %reduce_min3A_23 = vector.multi_reduction <minsi>, %select_n3A, %reduce_min3A_22 [0] : vector<1024x2048xi32> to vector<2048xi32>
    %swap3A = arith.constant 0 : index
    %swap3A_24 = arith.constant 0 : index
    %swap3A_25 = arith.constant 0 : index
    %swap3A_26 = arith.constant 0 : index
    %swap3A_27 = vector.load %arg3[%swap3A, %swap3A_24, %swap3A_25, %swap3A_26] : memref<1x1x1x2048xi32, #tpu.memory_space<vmem>>, vector<1x1x1x2048xi32>
    %swap3A_28 = vector.shape_cast %swap3A_27 : vector<1x1x1x2048xi32> to vector<2048xi32>
    %swap3A_29 = vector.shape_cast %reduce_min3A_23 : vector<2048xi32> to vector<1x1x1x2048xi32>
    tpu.vector_store %arg3[%swap3A, %swap3A_24, %swap3A_25, %swap3A_26], %swap3A_29 {strides = array<i32>} : memref<1x1x1x2048xi32, #tpu.memory_space<vmem>>, vector<1x1x1x2048xi32>,
    return
  }
  func.func @transform_0(%arg0: i32) -> (i32, i32, i32) {
    %c0_i32 = arith.constant 0 : i32
    %c0_i32_0 = arith.constant 0 : i32
    %c0_i32_1 = arith.constant 0 : i32
    return %arg0, %c0_i32, %c0_i32_0 : i32, i32, i32
  }
  func.func @transform_1(%arg0: i32) -> (i32, i32) {
    %c0_i32 = arith.constant 0 : i32
    %c0_i32_0 = arith.constant 0 : i32
    %c0_i32_1 = arith.constant 0 : i32
    return %c0_i32, %c0_i32_0 : i32, i32
  }
  func.func @transform_2(%arg0: i32) -> (i32, i32, i32, i32) {
    %c0_i32 = arith.constant 0 : i32
    %c0_i32_0 = arith.constant 0 : i32
    %c0_i32_1 = arith.constant 0 : i32
    %c0_i32_2 = arith.constant 0 : i32
    return %arg0, %c0_i32, %c0_i32_0, %c0_i32_1 : i32, i32, i32, i32
  }
}

</mosaic_0001>

<sc_bundles>
// kernel: kernel.4.cloned.1.call-start
scs
__scs_entry_jumppad:
0x0: {  	(pc) =	sbr.rel $0x88, $3  }
0x1: {  	(tag) =	ssettag $0x0;
	lr =	simm.s32 $0x1  }
0x2: {  	[smem:$0x3F9F] =	sst lr;
	_ =	strace $0xD0000000  }
0x3: {  	_ = 	snop  }
0x4: {  	_ = 	snop  }
0x5: {  	_ = 	snop  }
0x6: {  	_ = 	snop  }
0x7: {  	_ = 	snop  }
__scs_overlays_trampoline_lowered:
0x8: {  	[smem:$0x3FAE] =	sst s0  }
0x9: {  	[smem:$0x3FAF] =	sst s1  }
0xa: {  	[smem:$0x3FB0] =	sst s2  }
0xb: {  	[smem:$0x3FB1] =	sst s3  }
0xc: {  	[smem:$0x3FB2] =	sst s4  }
0xd: {  	[smem:$0x3FB3] =	sst s5  }
0xe: {  	[smem:$0x3FB4] =	sst s6  }
0xf: {  	[smem:$0x3FB5] =	sst s7  }
0x10: {  	[smem:$0x3FB6] =	sst s8  }
0x11: {  	[smem:$0x3FB7] =	sst s9;
	s0 =	simm.s32 @!p0 $0x0  }
0x12: {  	s1 =	sld [smem:$0x3F9D];
	s0 =	simm.s32 @p0 $0x1  }
0x13: {  	[smem:$0x3FB8] =	sst s0;
	s0 =	simm.s32 @!p1 $0x0  }
0x14: {  	s2 =	sld [smem:$0x3F9C];
	s0 =	simm.s32 @p1 $0x1  }
0x15: {  	[smem:$0x3FB9] =	sst s0;
	s0 =	simm.s32 @!p2 $0x0  }
0x16: {  	s3 =	sld [smem:$0x3FDB];
	s0 =	simm.s32 @p2 $0x1  }
0x17: {  	s4 =	simm.s32 $0x1BF5;
	[smem:$0x3FBB] =	sst s0  }
0x18: {  	s0 =	sld [smem:$0x3F9E];
	_ =	swait.ge [sflag:s4], $0x0  }
0x19: {  	s7 =	sld [smem:$0x3F9F]  }
0x1a: {  	s8 =	sadd.s32 $0xFFFFE003, lr  }
0x1b: {  	s9 =	sadd.s32 $0xFFFFFEF7, lr;
	s5 =	simm.s32 $0xFFFFFFFF;
	p2 =	slt.u32 s8, $0xFFFFF086  }
0x1c: {  	p1 =	slt.u32 s9, $0xF7A;
	s5 =	simm.s32 @!p2 $0x0  }
0x1d: {  	s5 =	simm.s32 @p1 $0x1;
	p0 =	seq.s32 s7, s2  }
0x1e: {  	s7 =	smul.u32 @!p0 $0xF7A, s2;
	p2 =	seq.s32 @!p0 s5, $0x0  }
0x1f: {  	s9 =	smul.u32 $0xF7A, s1;
	s8 =	simm.s32 @!p0 $0x1BF5;
	p2 =	por !p2, p0  }
0x20: {  	[sflag:s8] =	ssyncset.s32 @!p0 $0xFFFFF086;
	s6 =	sadd.s32 @!p0 s3, s7;
	s7 =	simm.s32 @!p0 $0x108  }
0x21: {  	s3 =	sadd.s32 s3, s9;
	s6 =	sadd.s32 @!p0 $0x88, s6;
	s7 =	simm.s32 @p2 $0x1082  }
0x22: {  	[simem:s7], [sflag:s8] =	dma.local @!p0 [hbm:s6], $0xF7A  }
0x23: {  	s9 =	sor.u32 $0xD0000000, s2;
	s6 =	simm.s32 $0x108;
	_ =	swait.ge @!p0 [sflag:s8], $0x0  }
0x24: {  	s3 =	sadd.s32 $0x88, s3;
	s6 =	simm.s32 @!p1 $0x1082;
	[sflag:s4] =	ssyncset.s32 $0xFFFFF086  }
0x25: {  	[simem:s6], [sflag:s4] =	dma.local [hbm:s3], $0xF7A  }
0x26: {  	[smem:$0x3F9F] =	sst s1;
	(tag) =	ssettag s2;
	_ =	strace s9  }
0x27: {  	s1 =	sld [smem:$0x3FAF]  }
0x28: {  	s2 =	sld [smem:$0x3FB0]  }
0x29: {  	s4 =	sld [smem:$0x3FB2]  }
0x2a: {  	p0 =	seq.s32 s5, $0x0;
	s5 =	sld [smem:$0x3FB3]  }
0x2b: {  	s6 =	sld [smem:$0x3FB4]  }
0x2c: {  	s7 =	sld [smem:$0x3FB5]  }
0x2d: {  	s3 =	simm.s32 $0x108;
	s8 =	sld [smem:$0x3FB6]  }
0x2e: {  	s3 =	simm.s32 @!p0 $0x1082;
	s9 =	sld [smem:$0x3FB7]  }
0x2f: {  	lr =	sadd.s32 s0, s3;
	s0 =	sld [smem:$0x3FAE]  }
0x30: {  	s3 =	sld [smem:$0x3FB1]  }
0x31: {  	[smem:$0x3FBA] =	sst s10  }
0x32: {  	s10 =	sld [smem:$0x3FB8];
	_ =	sdelay $0x3  }
0x33: {  	p0 =	seq.s32 s10, $0x1;
	s10 =	sld [smem:$0x3FBA];
	_ =	sdelay $0x3  }
0x34: {  	[smem:$0x3FBA] =	sst s10  }
0x35: {  	s10 =	sld [smem:$0x3FB9];
	_ =	sdelay $0x3  }
0x36: {  	p1 =	seq.s32 s10, $0x1;
	s10 =	sld [smem:$0x3FBA];
	_ =	sdelay $0x3  }
0x37: {  	[smem:$0x3FBA] =	sst s10  }
0x38: {  	s10 =	sld [smem:$0x3FBB]  }
0x39: {  	_ = 	snop;
	(pc) =	sbr.ind lr, $3  }
0x3a: {  	_ = 	snop  }
0x3b: {  	_ = 	snop  }
0x3c: {  	p2 =	seq.s32 s10, $0x1;
	s10 =	sld [smem:$0x3FBA]  }
0x3d: {  	_ =	shalt  }
0x3e: {  	_ =	shalt  }
0x3f: {  	_ =	shalt  }
0x40: {  	_ =	shalt  }
0x41: {  	_ =	shalt  }
0x42: {  	_ =	shalt  }
0x43: {  	_ =	shalt  }
0x44: {  	_ =	shalt  }
0x45: {  	_ =	shalt  }
0x46: {  	_ =	shalt  }
0x47: {  	_ =	shalt  }
0x48: {  	_ =	shalt  }
0x49: {  	_ =	shalt  }
0x4a: {  	_ =	shalt  }
0x4b: {  	_ =	shalt  }
0x4c: {  	_ =	shalt  }
0x4d: {  	_ =	shalt  }
0x4e: {  	_ =	shalt  }
0x4f: {  	_ =	shalt  }
0x50: {  	_ =	shalt  }
0x51: {  	_ =	shalt  }
0x52: {  	_ =	shalt  }
0x53: {  	_ =	shalt  }
0x54: {  	_ =	shalt  }
0x55: {  	_ =	shalt  }
0x56: {  	_ =	shalt  }
0x57: {  	_ =	shalt  }
0x58: {  	_ =	shalt  }
0x59: {  	_ =	shalt  }
0x5a: {  	_ =	shalt  }
0x5b: {  	_ =	shalt  }
0x5c: {  	_ =	shalt  }
0x5d: {  	_ =	shalt  }
0x5e: {  	_ =	shalt  }
0x5f: {  	_ =	shalt  }
0x60: {  	_ =	shalt  }
0x61: {  	_ =	shalt  }
0x62: {  	_ =	shalt  }
0x63: {  	_ =	shalt  }
0x64: {  	_ =	shalt  }
0x65: {  	_ =	shalt  }
0x66: {  	_ =	shalt  }
0x67: {  	_ =	shalt  }
0x68: {  	_ =	shalt  }
0x69: {  	_ =	shalt  }
0x6a: {  	_ =	shalt  }
0x6b: {  	_ =	shalt  }
0x6c: {  	_ =	shalt  }
0x6d: {  	_ =	shalt  }
0x6e: {  	_ =	shalt  }
0x6f: {  	_ =	shalt  }
0x70: {  	_ =	shalt  }
0x71: {  	_ =	shalt  }
0x72: {  	_ =	shalt  }
0x73: {  	_ =	shalt  }
0x74: {  	_ =	shalt  }
0x75: {  	_ =	shalt  }
0x76: {  	_ =	shalt  }
0x77: {  	_ =	shalt  }
0x78: {  	_ =	shalt  }
0x79: {  	_ =	shalt  }
0x7a: {  	_ =	shalt  }
0x7b: {  	_ =	shalt  }
0x7c: {  	_ =	shalt  }
0x7d: {  	_ =	shalt  }
0x7e: {  	_ =	shalt  }
0x7f: {  	_ =	shalt  }
0x80: {  	_ =	shalt  }
0x81: {  	_ =	shalt  }
0x82: {  	_ =	shalt  }
0x83: {  	_ =	shalt  }
0x84: {  	_ =	shalt  }
0x85: {  	_ =	shalt  }
0x86: {  	_ =	shalt  }
0x87: {  	_ =	shalt  }
.Lfunc_end0:
.L_simem_size_0:
called_computation_lowered:
.L_overlay_start_0:
0x88: {  	s2 =	sld [smem:$0x3FD9]  }
0x89: {  	s3 =	sld [smem:$0x3FFE];
	_ =	sdelay $0x1  }
0x8a: {  	s1 =	srdreg.scid  }
0x8b: {  	s0 =	sand.u32 $0x1, s1  }
0x8c: {  	s14 =	sshll.u32 s0, $0xA;
	s2 =	sadd.s32 s3, s2  }
0x8d: {  	s2 =	sadd.s32 s2, s14  }
0x8e: {  	[smem:$0x3FC6] =	sst s2  }
0x8f: {  	_ = 	snop  }
0x90: {  	s2 =	sld [smem:$0x3FD0];
	_ =	sdelay $0x2  }
0x91: {  	s15 =	simm.s32 $0xA;
	s4 =	simm.s32 $0x10  }
0x92: {  	[smem:s4], [sflag:s15] =	dma.local [hbm:s2], $0x1  }
0x93: {  	_ =	swait.eq [sflag:s15], $0x1  }
0x94: {  	[sflag:s15] =	ssyncset.done $0x0  }
0x95: {  	[sflag:s15] =	ssyncadd.s32 $0xFFFFFFFF  }
0x96: {  	s16 =	sld [smem:$0x10];
	(tm) =	ssettm $0x1  }
0x97: {  	s17 =	sld [smem:$0x3FFB];
	_ =	sdelay $0x3  }
0x98: {  	_ =	strace s17  }
0x99: {  	s3 =	sld [smem:$0x3FFC];
	_ =	sdelay $0x3  }
0x9a: {  	_ =	strace s3  }
0x9b: {  	s3 =	sld [smem:$0x3FFD];
	_ =	sdelay $0x3  }
0x9c: {  	_ =	strace s3  }
0x9d: {  	_ =	strace $0x8FFFFFFF  }
0x9e: {  	s18 =	sld [smem:$0x3FDB];
	_ =	sdelay $0x1  }
0x9f: {  	s19 =	simm.s32 $_scs_section_size  }
0xa0: {  	s5 =	simm.s32 $_size__tile_overlayer_lowered;
	s6 =	simm.s32 $_tile_overlayer_lowered  }
0xa1: {  	s22 =	simm.s32 $0x1BFF;
	s21 =	sshll.u32 s6, $0x1;
	s3 =	sadd.s32 s19, s18  }
0xa2: {  	s7 =	simm.s32 $0x0;
	s20 =	sshll.u32 s5, $0x1;
	s5 =	sadd.s32 s21, s3  }
0xa3: {  	[timem:s7], [sflag:s22] =	dma.local [hbm:s5], s20  }
0xa4: {  	_ =	swait.ge [sflag:s22], s20  }
0xa5: {  	s4 =	ssub.s32 $0x0, s20;
	[sflag:s22] =	ssyncset.done $0x0  }
0xa6: {  	[sflag:s22] =	ssyncadd.s32 s4;
	_ =	sdelay $0x1  }
0xa7: {  	s23 =	simm.s32 $0x1B8B  }
0xa8: {  	_ =	swait.ge [sflag:s23], $0x1  }
0xa9: {  	[sflag:s23] =	ssyncset.done $0x0  }
0xaa: {  	s25 =	simm.s32 $0x1B8E;
	s24 =	sld [smem:$0x3FFE];
	[sflag:s23] =	ssyncadd.s32 $0xFFFFFFFF  }
0xab: {  	s26 =	simm.s32 $execute0_lowered;
	[smem:$0x3FD2] =	sst s25  }
0xac: {  	s5 =	sshll.u32 s26, $0x1;
	_ =	strace $0x80000046;
	[dreg:$0x1] =	wrdreg $0xFFFFFFFF  }
0xad: {  	s28 =	simm.s32 $_size_execute0_lowered;
	s3 =	sadd.s32 s3, s5;
	[dreg:$0x0] =	wrdreg $0x0  }
0xae: {  	s5 =	sshll.u32 s28, $0x1;
	[dreg:$0x2] =	wrdreg s3  }
0xaf: {  	[dreg:$0x3] =	wrdreg s5  }
0xb0: {  	[dreg:$0x4] =	wrdreg $0xC0  }
0xb1: {  	_ =	task [dreg:s7], $0x5FFFF  }
0xb2: {  	[dreg:$0x1] =	wrdreg $0xFFFFFFFF  }
0xb3: {  	[dreg:$0x0] =	wrdreg $0x60  }
0xb4: {  	[dreg:$0x2] =	wrdreg s24  }
0xb5: {  	[dreg:$0x3] =	wrdreg s16  }
0xb6: {  	[dreg:$0x4] =	wrdreg $0x9  }
0xb7: {  	_ =	task.clear_ibuf [dreg:s7], $0x5FFFF;
	_ =	strace $0x90000046  }
0xb8: {  	s29 =	simm.s32 $0x9;
	_ =	strace $0x80000048  }
0xb9: {  	_ =	swait.ge [sflag:s29], $0x1  }
0xba: {  	[sflag:s29] =	ssyncadd.s32 $0xFFFFFFFF  }
0xbb: {  	_ =	strace $0x90000048  }
0xbc: {  	_ =	sfence  }
0xbd: {  	s30 =	sld [smem:$0x0];
	_ =	sdelay $0x2  }
0xbe: {  	s31 =	sshll.u32 s1, $0xD;
	s1 =	sshrl.u32 s1, $0x2  }
0xbf: {  	s3 =	sand.u32 $0x4000, s31;
	s1 =	sadd.s32 s1, s30  }
0xc0: {  	s0 =	sor.u32 s3, s0;
	s1 =	sshll.u32 s1, $0x11  }
0xc1: {  	s0 =	sor.u32 s1, s0  }
0xc2: {  	s0 =	sadd.s32 $0x8F2B, s0  }
0xc3: {  	[sflag:s0] =	ssyncadd.remote.s32 $0x1  }
0xc4: {  	_ =	sfence.sel $0xFFFF  }
0xc5: {  	[dreg:$0x0] =	wrdreg $0xFFFFFFFF;
	(pc) =	sbr.abs _section_cstart, $3  }
0xc6: {  	[dreg:$0x1] =	wrdreg $0xFFFFFFFF  }
0xc7: {  	_ =	task.clear_ibuf [dreg:s7], $0x2FFFF;
	_ =	strace $0x9FFFFFFF  }
0xc8: {  	(tm) =	ssettm $0x7FFFFFFF  }
0xc9: {  	_ =	shalt  }
tec
execute0_lowered:
.L_overlay_start_1:
0x0: {  	(tag) =	ssettag $0x1  }
0x1: {  	s5 =	stileid.u32  }
0x2: {  	s3 =	srdreg.scid;
	s4 =	sshll.u32 s5, $0x1  }
0x3: {  	s0 =	rddreg [dreg:$0x0];
	s3 =	sand.u32 $0x1, s3;
	s4 =	sand.u32 $0x2, s4  }
0x4: {  	s1 =	rddreg [dreg:$0x1];
	s2 =	simm.s32 $0x0;
	s4 =	sor.u32 s3, s4  }
0x5: {  	[smem:$0x7FF] =	sst s2;
	s5 =	sshrl.u32 s5, $0x1;
	s6 =	sshll.u32 s4, $0x4  }
0x6: {  	_ =	strace $0x80000047;
	s7 =	sshll.u32 s5, $0x4;
	s6 =	sadd.s32 s6, s0  }
0x7: {  	s5 =	sshll.u32 s5, $0xE;
	s0 =	sadd.s32 s7, s0;
	s6 =	sadd.s32 $0x200, s6  }
0x8: {  	s3 =	ssub.s32 $0x2, s3;
	s24 =	sadd.s32 $0x4200, s0;
	[dreg:$0x3] =	wrdreg s6  }
0x9: {  	s23 =	sshrl.u32 s3, $0x1;
	s25 =	sadd.s32 $0x4600, s0;
	[dreg:$0x4] =	wrdreg s24  }
0xa: {  	s4 =	sshll.u32 s4, $0xC;
	s28 =	sadd.s32 $0x4A00, s0;
	[dreg:$0x6] =	wrdreg s25  }
0xb: {  	s5 =	sor.u32 s5, s4;
	s0 =	sadd.s32 $0x4E00, s0;
	[dreg:$0x8] =	wrdreg s28  }
0xc: {  	s3 =	ssub.s32 s3, s23;
	s1 =	sadd.s32 s1, s5;
	[dreg:$0xa] =	wrdreg s0  }
0xd: {  	s13 =	simm.s32 $0x80;
	s31 =	smax.u32 s3, $0x1;
	[dreg:$0x5] =	wrdreg s1  }
0xe: {  	s15 =	simm.s32 $0x2;
	s26 =	sadd.s32 $0x20000, s1;
	[dreg:$0xc] =	wrdreg s31  }
0xf: {  	s17 =	simm.s32 $0x400;
	s29 =	sadd.s32 $0x40000, s1;
	[dreg:$0x7] =	wrdreg s26  }
0x10: {  	s20 =	simm.s32 $0x1;
	s30 =	sadd.s32 $0x60000, s1;
	[dreg:$0x9] =	wrdreg s29  }
0x11: {  	s21 =	simm.s32 $0x0;
	s5 =	simm.s32 $0x8000;
	[dreg:$0xb] =	wrdreg s30  }
.LBB2_1:
0x12: {  	s0 =	rddreg [dreg:$0x3];
	s1 =	simm.s32 $0x200  }
0x13: {  	[tilespmem:s2], [sflag:$0x2] =	stream.strided.gather [hbm4b:s0+s13], $0x8000, s1, s13, $0x38;
	[tilespmem:$0x18400] =	vst v63  }
0x14: {  	_ =	swait.ge [sflag:s15], $0x8000  }
0x15: {  	[sflag:s15] =	ssyncset.done $0x0  }
0x16: {  	s25 =	rddreg [dreg:$0x4];
	[sflag:s15] =	ssyncadd.s32 $0xFFFF8000  }
0x17: {  	[tilespmem:s5], [sflag:$0x2] =	stream.strided.gather [hbm4b:s25+s13], $0x400, s17, s13, $0x38;
	[tilespmem:$0x18400] =	vst v63  }
0x18: {  	s26 =	simm.s32 $0x0;
	_ =	swait.ge [sflag:s15], $0x400  }
0x19: {  	s0 =	sand.u32 $0x70, s2;
	s1 =	sand.u32 $0x3FFFFF80, s26;
	[sflag:s15] =	ssyncset.done $0x0  }
0x1a: {  	s1 =	sor.u32 s0, s1;
	[sflag:s15] =	ssyncadd.s32 $0xFFFFFC00  }
0x1b: {  	v1 =	vld [tilespmem:s1+$0x8000]  }
0x1c: {  	s3 =	simm.s32 $0x0  }
0x1d: {  	s1 =	sand.u32 $0x10, s3  }
0x1e: {  	s3 =	sshll.u32 s1, $0xA  }
0x1f: {  	s14 =	sor.u32 $0x3C00, s3  }
0x20: {  	s18 =	sor.u32 $0x3400, s3;
	v0 =	vadd.s32 s14, v1  }
0x21: {  	s4 =	sor.u32 $0x2400, s3;
	v2 =	vadd.s32 s18, v1  }
0x22: {  	s6 =	sor.u32 $0x2800, s3;
	v3 =	vadd.s32 s4, v1  }
0x23: {  	s7 =	sor.u32 $0x2C00, s3;
	v4 =	vadd.s32 s6, v1  }
0x24: {  	s8 =	sor.u32 $0x3000, s3;
	v5 =	vadd.s32 s7, v1  }
0x25: {  	s19 =	sor.u32 $0x3800, s3;
	v6 =	vadd.s32 s8, v1;
	v0 =	vld.idx.msk [tilespmem:v0+s2+$0x0], $0xffff  }
0x26: {  	s16 =	sor.u32 $0x1000, s3;
	v7 =	vadd.s32 s19, v1;
	v2 =	vld.idx.msk [tilespmem:v2+s2+$0x0], $0xffff  }
0x27: {  	v12 =	vadd.s32 s16, v1;
	v3 =	vld.idx.msk [tilespmem:v3+s2+$0x0], $0xffff  }
0x28: {  	s23 =	simm.s32 $0x8;
	s9 =	sor.u32 $0x8, s1;
	s11 =	sor.u32 $0x400, s3;
	v4 =	vld.idx.msk [tilespmem:v4+s2+$0x0], $0xffff  }
0x29: {  	s24 =	simm.s32 $0x8;
	s10 =	sadd.s32 $0x0, s9;
	s22 =	sor.u32 $0x1C00, s3;
	v8 =	vadd.s32 s11, v1;
	v5 =	vld.idx.msk [tilespmem:v5+s2+$0x0], $0xffff  }
0x2a: {  	s24 =	sand.u32 $0x3FFFFF80, s24;
	s12 =	sor.u32 $0x800, s3;
	s14 =	sshll.u32 s10, $0xA;
	v9 =	vadd.s32 s22, v1;
	v6 =	vld.idx.msk [tilespmem:v6+s2+$0x0], $0xffff  }
0x2b: {  	s25 =	sor.u32 $0xC00, s3;
	s22 =	sand.u32 $0x70, s23;
	v10 =	vadd.s32 s12, v1;
	s14 =	sand.u32 $0x3FFFFC00, s14;
	v7 =	vld.idx.msk [tilespmem:v7+s2+$0x0], $0xffff  }
0x2c: {  	v11 =	vadd.s32 s25, v1;
	s24 =	sor.u32 s22, s24;
	s23 =	sor.u32 s0, s14;
	v12 =	vld.idx.msk [tilespmem:v12+s2+$0x0], $0xffff  }
0x2d: {  	s26 =	sor.u32 $0x1400, s3;
	[tilespmem:s23+$0x8780] =	vst v0;
	v0 =	vld [tilespmem:s24+$0x8000]  }
0x2e: {  	s18 =	sshll.u32 s9, $0xA;
	s25 =	simm.s32 $0x10;
	[tilespmem:s23+$0x8680] =	vst v2;
	v2 =	vld.idx.msk [tilespmem:v8+s2+$0x0], $0xffff;
	v8 =	vadd.s32 s26, v1  }
0x2f: {  	v13 =	vadd.s32 s18, v1;
	s4 =	sand.u32 $0x10, s25;
	[tilespmem:s23+$0x8480] =	vst v3;
	v3 =	vld.idx.msk [tilespmem:v9+s2+$0x0], $0xffff  }
0x30: {  	s1 =	sadd.s32 $0x0, s1;
	v9 =	vadd.s32 s3, v1;
	s24 =	sshll.u32 s4, $0xA;
	s3 =	sor.u32 $0x1800, s3;
	[tilespmem:s23+$0x8500] =	vst v4;
	v4 =	vld.idx.msk [tilespmem:v10+s2+$0x0], $0xffff  }
0x31: {  	s1 =	sshll.u32 s1, $0xA;
	[tilespmem:s23+$0x8580] =	vst v5;
	v10 =	vld.idx.msk [tilespmem:v11+s2+$0x0], $0xffff;
	s6 =	sor.u32 $0x3C00, s24;
	v1 =	vadd.s32 s3, v1  }
0x32: {  	s1 =	sand.u32 $0x3FFFFC00, s1;
	[tilespmem:s23+$0x8600] =	vst v6;
	s7 =	sor.u32 $0x3400, s24;
	v5 =	vadd.s32 s6, v0  }
0x33: {  	s30 =	sor.u32 s0, s1;
	[tilespmem:s23+$0x8700] =	vst v7;
	s9 =	sor.u32 $0x2400, s24;
	v14 =	vadd.s32 s7, v0;
	v15 =	vld.idx.msk [tilespmem:v8+s2+$0x0], $0xffff  }
0x34: {  	s29 =	simm.s32 $0x10;
	[tilespmem:s30+$0x8600] =	vst v12;
	s16 =	sor.u32 $0x2800, s24;
	v16 =	vadd.s32 s9, v0;
	v8 =	vld.idx.msk [tilespmem:v13+s2+$0x0], $0xffff  }
0x35: {  	s8 =	sor.u32 $0x8, s4;
	s11 =	sadd.s32 $0x0, s4;
	s18 =	sor.u32 $0x2C00, s24;
	[tilespmem:s30+$0x8480] =	vst v2;
	v6 =	vld.idx.msk [tilespmem:v9+s2+$0x0], $0xffff;
	v11 =	vadd.s32 s16, v0  }
0x36: {  	s10 =	sadd.s32 $0x0, s8;
	s1 =	sshll.u32 s11, $0xA;
	s19 =	sor.u32 $0x3000, s24;
	[tilespmem:s30+$0x8580] =	vst v10;
	v10 =	vadd.s32 s18, v0;
	v7 =	vld.idx.msk [tilespmem:v1+s2+$0x0], $0xffff  }
0x37: {  	s12 =	sshll.u32 s8, $0xA;
	s0 =	sshll.u32 s10, $0xA;
	s14 =	sor.u32 $0x3800, s24;
	[tilespmem:s30+$0x8780] =	vst v3;
	v9 =	vadd.s32 s19, v0;
	v5 =	vld.idx.msk [tilespmem:v5+s2+$0x0], $0xffff  }
0x38: {  	s31 =	sand.u32 $0x3FFFFC00, s0;
	s26 =	sand.u32 $0x3FFFFC00, s1;
	s28 =	sor.u32 $0x400, s24;
	[tilespmem:s30+$0x8500] =	vst v4;
	v2 =	vadd.s32 s14, v0;
	v3 =	vld.idx.msk [tilespmem:v14+s2+$0x0], $0xffff  }
0x39: {  	s0 =	sor.u32 $0x1C00, s24;
	s1 =	sor.u32 $0x800, s24;
	s14 =	sor.u32 $0x1000, s24;
	v1 =	vadd.s32 s12, v0;
	v4 =	vld.idx.msk [tilespmem:v16+s2+$0x0], $0xffff;
	[tilespmem:s30+$0x8680] =	vst v15  }
.LBB2_2:
0x3a: {  	s25 =	sadd.s32 $0x10, s25;
	v12 =	vadd.s32 s24, v0;
	v13 =	vadd.s32 s28, v0;
	s3 =	sor.u32 $0xC00, s24;
	v11 =	vld.idx.msk [tilespmem:v11+s2+$0x0], $0xffff;
	[tilespmem:s23+$0x8400] =	vst v8;
	s23 =	sor.u32 s22, s31  }
0x3b: {  	v8 =	vadd.s32 s0, v0;
	s18 =	sand.u32 $0x10, s25;
	s19 =	sshrl.u32 s25, $0x8;
	s28 =	sshrl.u32 s25, $0x1;
	v10 =	vld.idx.msk [tilespmem:v10+s2+$0x0], $0xffff;
	[tilespmem:s30+$0x8400] =	vst v6  }
0x3c: {  	s4 =	sand.u32 $0x70, s29;
	v6 =	vadd.s32 s1, v0;
	s0 =	sand.u32 $0x3FFFFF80, s28;
	s6 =	sshll.u32 s18, $0xA;
	v9 =	vld.idx.msk [tilespmem:v9+s2+$0x0], $0xffff;
	[tilespmem:s30+$0x8700] =	vst v7  }
0x3d: {  	s1 =	sor.u32 $0x8, s18;
	v7 =	vadd.s32 s3, v0;
	s0 =	sor.u32 s4, s0;
	s28 =	sor.u32 $0x400, s6;
	v14 =	vld.idx.msk [tilespmem:v2+s2+$0x0], $0xffff;
	[tilespmem:s23+$0x8780] =	vst v5  }
0x3e: {  	v15 =	vadd.s32 s14, v0;
	s14 =	sor.u32 $0x1400, s24;
	s3 =	sor.u32 $0x2400, s6;
	v5 =	vld [tilespmem:s0+$0x8000];
	s0 =	sadd.s32 s19, s1;
	[tilespmem:s23+$0x8680] =	vst v3  }
0x3f: {  	p0 =	slt.u32 s25, $0x7F0;
	s18 =	sadd.s32 s19, s18;
	s0 =	sshll.u32 s0, $0xA;
	v3 =	vld.idx.msk [tilespmem:v13+s2+$0x0], $0xffff;
	v13 =	vadd.s32 s14, v0;
	[tilespmem:s23+$0x8480] =	vst v4  }
0x40: {  	s14 =	sshll.u32 s18, $0xA;
	s31 =	sand.u32 $0x3FFFFC00, s0;
	s0 =	sor.u32 $0x1800, s24;
	v4 =	vld.idx.msk [tilespmem:v8+s2+$0x0], $0xffff;
	[tilespmem:s23+$0x8500] =	vst v11  }
0x41: {  	s18 =	sor.u32 $0x3C00, s6;
	s14 =	sand.u32 $0x3FFFFC00, s14;
	s24 =	smov.u32 s6;
	v16 =	vld.idx.msk [tilespmem:v6+s2+$0x0], $0xffff;
	v17 =	vadd.s32 s0, v0;
	[tilespmem:s23+$0x8580] =	vst v10  }
0x42: {  	s1 =	sshll.u32 s1, $0xA;
	s0 =	sor.u32 $0x1C00, s24;
	s6 =	sor.u32 $0x3800, s24;
	v18 =	vld.idx.msk [tilespmem:v7+s2+$0x0], $0xffff;
	[tilespmem:s23+$0x8600] =	vst v9  }
0x43: {  	s19 =	sor.u32 $0x3400, s24;
	v6 =	vadd.s32 s1, v5;
	v2 =	vadd.s32 s6, v5;
	v19 =	vadd.s32 s18, v5;
	v15 =	vld.idx.msk [tilespmem:v15+s2+$0x0], $0xffff;
	v0 =	vmovc v5  }
0x44: {  	s30 =	sor.u32 s22, s26;
	s22 =	smov.u32 s4;
	s1 =	sor.u32 $0x800, s24;
	v20 =	vadd.s32 s3, v0;
	v21 =	vadd.s32 s19, v0;
	v13 =	vld.idx.msk [tilespmem:v13+s2+$0x0], $0xffff;
	[tilespmem:s23+$0x8700] =	vst v14  }
0x45: {  	s26 =	smov.u32 s14;
	s3 =	sor.u32 $0x2800, s24;
	[tilespmem:s30+$0x8480] =	vst v3;
	v8 =	vld.idx.msk [tilespmem:v1+s2+$0x0], $0xffff;
	v1 =	vmov v6  }
.Ltmp0:
0x46: {  	v11 =	vadd.s32 s3, v0;
	s3 =	sor.u32 $0x2C00, s24;
	v6 =	vld.idx.msk [tilespmem:v12+s2+$0x0], $0xffff;
	[tilespmem:s30+$0x8780] =	vst v4;
	(pc) =	sbr.rel @p0 .LBB2_2-.Ltmp0, $4  }
0x47: {  	v10 =	vadd.s32 s3, v0;
	s3 =	sor.u32 $0x3000, s24;
	[tilespmem:s30+$0x8500] =	vst v16;
	v7 =	vld.idx.msk [tilespmem:v17+s2+$0x0], $0xffff  }
0x48: {  	v9 =	vadd.s32 s3, v0;
	v5 =	vld.idx.msk [tilespmem:v19+s2+$0x0], $0xffff;
	[tilespmem:s30+$0x8580] =	vst v18  }
0x49: {  	v3 =	vld.idx.msk [tilespmem:v21+s2+$0x0], $0xffff;
	[tilespmem:s30+$0x8600] =	vst v15  }
0x4a: {  	s29 =	sadd.s32 $0x8, s29;
	s14 =	sor.u32 $0x1000, s24;
	v4 =	vld.idx.msk [tilespmem:v20+s2+$0x0], $0xffff;
	[tilespmem:s30+$0x8680] =	vst v13  }
0x4b: {  	_ =	sdelay $0x3  }
0x4c: {  	[tilespmem:s23+$0x8400] =	vst v8;
	v8 =	vld.idx.msk [tilespmem:v11+s2+$0x0], $0xffff  }
0x4d: {  	v12 =	vadd.s32 s28, v0;
	[tilespmem:s30+$0x8400] =	vst v6;
	v6 =	vld.idx.msk [tilespmem:v10+s2+$0x0], $0xffff  }
0x4e: {  	v11 =	vadd.s32 s0, v0;
	s3 =	sor.u32 s22, s31;
	v2 =	vld.idx.msk [tilespmem:v2+s2+$0x0], $0xffff;
	[tilespmem:s30+$0x8700] =	vst v7  }
0x4f: {  	s18 =	sor.u32 $0xC00, s24;
	v10 =	vadd.s32 s1, v0;
	v1 =	vld.idx.msk [tilespmem:v1+s2+$0x0], $0xffff;
	[tilespmem:s3+$0x8780] =	vst v5  }
0x50: {  	v7 =	vld.idx.msk [tilespmem:v9+s2+$0x0], $0xffff;
	v9 =	vadd.s32 s18, v0;
	[tilespmem:s3+$0x8680] =	vst v3  }
0x51: {  	s19 =	sor.u32 $0x1400, s24;
	v5 =	vadd.s32 s14, v0;
	[tilespmem:s3+$0x8480] =	vst v4  }
0x52: {  	v3 =	vld.idx.msk [tilespmem:v12+s2+$0x0], $0xffff;
	v12 =	vadd.s32 s19, v0;
	[tilespmem:s3+$0x8500] =	vst v8  }
0x53: {  	s23 =	sor.u32 $0x1800, s24;
	v4 =	vld.idx.msk [tilespmem:v11+s2+$0x0], $0xffff;
	v8 =	vadd.s32 s24, v0;
	[tilespmem:s3+$0x8580] =	vst v6  }
0x54: {  	v10 =	vld.idx.msk [tilespmem:v10+s2+$0x0], $0xffff;
	v0 =	vadd.s32 s23, v0;
	[tilespmem:s3+$0x8700] =	vst v2  }
0x55: {  	[tilespmem:s3+$0x8400] =	vst v1;
	v6 =	vld.idx.msk [tilespmem:v9+s2+$0x0], $0xffff  }
0x56: {  	s24 =	sor.u32 s22, s26;
	[tilespmem:s3+$0x8600] =	vst v7;
	v5 =	vld.idx.msk [tilespmem:v5+s2+$0x0], $0xffff  }
0x57: {  	v2 =	vld.idx.msk [tilespmem:v12+s2+$0x0], $0xffff;
	[tilespmem:s24+$0x8480] =	vst v3  }
0x58: {  	[tilespmem:s24+$0x8780] =	vst v4;
	v3 =	vld.idx.msk [tilespmem:v8+s2+$0x0], $0xffff  }
0x59: {  	[tilespmem:s24+$0x8500] =	vst v10;
	v0 =	vld.idx.msk [tilespmem:v0+s2+$0x0], $0xffff  }
0x5a: {  	[tilespmem:s24+$0x8580] =	vst v6  }
0x5b: {  	[tilespmem:s24+$0x8600] =	vst v5  }
0x5c: {  	[tilespmem:s24+$0x8680] =	vst v2  }
0x5d: {  	[tilespmem:s24+$0x8400] =	vst v3  }
0x5e: {  	[tilespmem:s24+$0x8700] =	vst v0  }
0x5f: {  	s25 =	simm.s32 $0x0;
	s31 =	simm.s32 $0x8400;
	s26 =	rddreg [dreg:$0x5]  }
0x60: {  	[hbm4b:s26+s25] =	stream.linear.scatter [tilespmem:s31], [sflag:$0x1], $0x8000, $0x38;
	[tilespmem:$0x18400] =	vst v63  }
0x61: {  	s4 =	rddreg [dreg:$0x6]  }
0x62: {  	[tilespmem:s5], [sflag:$0x2] =	stream.strided.gather [hbm4b:s4+s13], $0x400, s17, s13, $0x38;
	[tilespmem:$0x18400] =	vst v63  }
0x63: {  	s5 =	simm.s32 $0x0;
	_ =	swait.ge [sflag:s15], $0x400  }
0x64: {  	s25 =	sand.u32 $0x70, s25;
	s6 =	sand.u32 $0x3FFFFF80, s5;
	[sflag:s15] =	ssyncset.done $0x0  }
0x65: {  	s7 =	simm.s32 $0x0;
	s0 =	sor.u32 s25, s6;
	[sflag:s15] =	ssyncadd.s32 $0xFFFFFC00  }
0x66: {  	s8 =	sand.u32 $0x10, s7;
	v0 =	vld [tilespmem:s0+$0x8000]  }
0x67: {  	s16 =	simm.s32 $0x0;
	s1 =	sshll.u32 s8, $0xA  }
0x68: {  	s9 =	sor.u32 $0x400, s1;
	s18 =	sor.u32 $0xC00, s1;
	s10 =	sor.u32 $0x1400, s1  }
0x69: {  	s28 =	sor.u32 $0x2400, s1;
	s29 =	sor.u32 $0x2800, s1;
	s0 =	sadd.s32 $0x0, s8  }
0x6a: {  	s30 =	sor.u32 $0x2C00, s1;
	s6 =	sor.u32 $0x3C00, s1;
	s0 =	sshll.u32 s0, $0xA  }
0x6b: {  	s14 =	sor.u32 $0x3800, s1;
	s24 =	sor.u32 $0x1C00, s1;
	s11 =	sadd.s32 $0x8000, s0;
	v1 =	vadd.s32 s6, v0  }
0x6c: {  	v2 =	vadd.s32 s1, v0;
	v5 =	vadd.s32 s18, v0;
	s18 =	sand.u32 $0x3FFFFC00, s11;
	v9 =	vadd.s32 s24, v0;
	s11 =	simm.s32 $0x8;
	s24 =	simm.s32 $0x8  }
0x6d: {  	s4 =	sor.u32 $0x800, s1;
	v3 =	vadd.s32 s9, v0;
	s22 =	sand.u32 $0x70, s24;
	s11 =	sand.u32 $0x3FFFFF80, s11  }
0x6e: {  	s7 =	sand.u32 $0x6000, s30;
	s3 =	sor.u32 $0x3000, s1;
	v4 =	vadd.s32 s4, v0;
	s11 =	sor.u32 s22, s11  }
0x6f: {  	s19 =	sor.u32 $0x1000, s1;
	s23 =	sor.u32 $0x1800, s1;
	s12 =	sand.u32 $0x6000, s3;
	v16 =	vld [tilespmem:s11+$0x8000]  }
0x70: {  	s26 =	sor.u32 $0x2000, s1;
	s31 =	sor.u32 $0x3400, s1;
	s5 =	sand.u32 $0x3FFFFC00, s16;
	v6 =	vadd.s32 s19, v0;
	v1 =	vld.idx.msk [tilespmem:v1+s2+$0x0], $0xffff  }
0x71: {  	s7 =	sadd.s32 s5, s7;
	s12 =	sadd.s32 s5, s12;
	s8 =	sand.u32 $0x6000, s31;
	v7 =	vadd.s32 s10, v0;
	v2 =	vld.idx.msk [tilespmem:v2+s2+$0x0], $0xffff  }
0x72: {  	s16 =	sadd.s32 s5, s8;
	s0 =	sadd.s32 $0xA000, s0;
	s1 =	sand.u32 $0x6000, s28;
	v12 =	vadd.s32 s29, v0;
	v3 =	vld.idx.msk [tilespmem:v3+s2+$0x0], $0xffff  }
0x73: {  	s4 =	sand.u32 $0x6000, s29;
	s9 =	sand.u32 $0x6000, s14;
	s6 =	sand.u32 $0x6000, s6;
	v8 =	vadd.s32 s23, v0;
	v4 =	vld.idx.msk [tilespmem:v4+s2+$0x0], $0xffff  }
0x74: {  	s10 =	sand.u32 $0x3FFFFC00, s0;
	s23 =	simm.s32 $0x10;
	s6 =	sadd.s32 s5, s6;
	v5 =	vld.idx.msk [tilespmem:v5+s2+$0x0], $0xffff  }
0x75: {  	v10 =	vadd.s32 s26, v0;
	s4 =	sadd.s32 s5, s4;
	s6 =	sor.u32 s25, s6;
	s11 =	sand.u32 $0x10, s23;
	v6 =	vld.idx.msk [tilespmem:v6+s2+$0x0], $0xffff  }
0x76: {  	v11 =	vadd.s32 s28, v0;
	s0 =	sor.u32 s25, s18;
	s19 =	sor.u32 s25, s4;
	s4 =	sshll.u32 s11, $0xA;
	v7 =	vld.idx.msk [tilespmem:v7+s2+$0x0], $0xffff;
	[tilespmem:s6+$0x10780] =	vst v1  }
0x77: {  	s26 =	sor.u32 s25, s12;
	s1 =	sadd.s32 s5, s1;
	s5 =	sadd.s32 s5, s9;
	v14 =	vld.idx.msk [tilespmem:v12+s2+$0x0], $0xffff;
	v12 =	vadd.s32 s4, v16;
	[tilespmem:s0+$0x8400] =	vst v2  }
0x78: {  	s9 =	sor.u32 s25, s10;
	s18 =	sor.u32 s25, s7;
	s10 =	sor.u32 s25, s1;
	v1 =	vadd.s32 s30, v0;
	v2 =	vld.idx.msk [tilespmem:v8+s2+$0x0], $0xffff;
	[tilespmem:s0+$0x8480] =	vst v3  }
0x79: {  	s1 =	sor.u32 s25, s16;
	s25 =	sor.u32 s25, s5;
	s12 =	sor.u32 $0x400, s4;
	v8 =	vadd.s32 s3, v0;
	v3 =	vld.idx.msk [tilespmem:v9+s2+$0x0], $0xffff;
	[tilespmem:s0+$0x8500] =	vst v4  }
0x7a: {  	s16 =	sor.u32 $0x800, s4;
	s8 =	sor.u32 $0x3C00, s4;
	s28 =	sor.u32 $0x1400, s4;
	v9 =	vadd.s32 s31, v0;
	v4 =	vld.idx.msk [tilespmem:v10+s2+$0x0], $0xffff;
	[tilespmem:s0+$0x8580] =	vst v5  }
0x7b: {  	s29 =	sor.u32 $0x1800, s4;
	s5 =	sor.u32 $0x2C00, s4;
	s7 =	sor.u32 $0x3000, s4;
	v0 =	vadd.s32 s14, v0;
	v5 =	vld.idx.msk [tilespmem:v11+s2+$0x0], $0xffff;
	[tilespmem:s0+$0x8600] =	vst v6  }
0x7c: {  	v17 =	vadd.s32 s16, v16;
	s16 =	sor.u32 $0x3400, s4;
	s3 =	sadd.s32 $0x0, s11;
	s11 =	sor.u32 $0xC00, s4;
	v6 =	vadd.s32 s8, v16;
	[tilespmem:s0+$0x8680] =	vst v7;
	v12 =	vld.idx.msk [tilespmem:v12+s2+$0x0], $0xffff  }
0x7d: {  	s14 =	sor.u32 $0x1000, s4;
	s30 =	sor.u32 $0x1C00, s4;
	s31 =	sor.u32 $0x2000, s4;
	v1 =	vld.idx.msk [tilespmem:v1+s2+$0x0], $0xffff;
	[tilespmem:s0+$0x8700] =	vst v2;
	v2 =	vadd.s32 s12, v16  }
0x7e: {  	s6 =	sor.u32 $0x2400, s4;
	v7 =	vadd.s32 s29, v16;
	s29 =	sand.u32 $0x6000, s16;
	[tilespmem:s19+$0x10500] =	vst v14;
	s19 =	simm.s32 $0x40;
	v15 =	vld.idx.msk [tilespmem:v8+s2+$0x0], $0xffff  }
0x7f: {  	v19 =	vadd.s32 s11, v16;
	s12 =	sor.u32 $0x2800, s4;
	v18 =	vld.idx.msk [tilespmem:v9+s2+$0x0], $0xffff;
	[tilespmem:s0+$0x8780] =	vst v3;
	s4 =	sor.u32 $0x3800, s4;
	v9 =	vadd.s32 s14, v16;
	s14 =	sshll.u32 s3, $0xA  }
0x80: {  	v11 =	vld.idx.msk [tilespmem:v0+s2+$0x0], $0xffff;
	s3 =	sand.u32 $0x6000, s6;
	[tilespmem:s9+$0x8400] =	vst v4;
	s0 =	sand.u32 $0x6000, s5;
	v8 =	vadd.s32 s30, v16;
	s30 =	sand.u32 $0x6000, s7  }
0x81: {  	v10 =	vadd.s32 s28, v16;
	[tilespmem:s10+$0x10480] =	vst v5;
	v13 =	vld.idx.msk [tilespmem:v6+s2+$0x0], $0xffff;
	v6 =	vadd.s32 s31, v16;
	s31 =	sand.u32 $0x6000, s8;
	s9 =	sand.u32 $0x6000, s12;
	s11 =	sadd.s32 $0x8000, s14  }
0x82: {  	v4 =	vadd.s32 s6, v16;
	s14 =	sadd.s32 $0xA000, s14;
	s28 =	sand.u32 $0x6000, s4;
	v3 =	vadd.s32 s12, v16;
	s12 =	sand.u32 $0x3FFFFC00, s11;
	v14 =	vld.idx.msk [tilespmem:v2+s2+$0x0], $0xffff;
	[tilespmem:s18+$0x10580] =	vst v1  }
0x83: {  	v5 =	vadd.s32 s5, v16;
	v0 =	vadd.s32 s4, v16;
	s14 =	sand.u32 $0x3FFFFC00, s14;
	[tilespmem:s26+$0x10600] =	vst v15;
	s26 =	sor.u32 s22, s12;
	v15 =	vld.idx.msk [tilespmem:v17+s2+$0x0], $0xffff;
	s18 =	sand.u32 $0x3FFFFC00, s19  }
0x84: {  	v2 =	vadd.s32 s7, v16;
	v1 =	vadd.s32 s16, v16;
	[tilespmem:s1+$0x10680] =	vst v18;
	v16 =	vld.idx.msk [tilespmem:v19+s2+$0x0], $0xffff;
	s19 =	sadd.s32 s18, s3;
	s1 =	sadd.s32 s18, s9;
	s3 =	sadd.s32 s18, s31  }
.LBB2_4:
0x85: {  	s23 =	sadd.s32 $0x10, s23  }
0x86: {  	v9 =	vld.idx.msk [tilespmem:v9+s2+$0x0], $0xffff;
	s4 =	sadd.s32 s18, s0;
	s0 =	sor.u32 s22, s3;
	[tilespmem:s25+$0x10700] =	vst v11;
	s24 =	sadd.s32 $0x8, s24  }
0x87: {  	s7 =	sadd.s32 s18, s29;
	s3 =	sshrl.u32 s23, $0x8;
	s5 =	sshrl.u32 s23, $0x1;
	v10 =	vld.idx.msk [tilespmem:v10+s2+$0x0], $0xffff;
	[tilespmem:s0+$0x10780] =	vst v13  }
0x88: {  	s6 =	sand.u32 $0x70, s24;
	s0 =	sand.u32 $0x3FFFFF80, s5;
	[tilespmem:s26+$0x8400] =	vst v12;
	v7 =	vld.idx.msk [tilespmem:v7+s2+$0x0], $0xffff;
	s5 =	sadd.s32 s18, s30  }
0x89: {  	s8 =	sadd.s32 s18, s28;
	s28 =	sor.u32 s22, s19;
	s0 =	sor.u32 s6, s0;
	[tilespmem:s26+$0x8480] =	vst v14;
	v12 =	vld.idx.msk [tilespmem:v8+s2+$0x0], $0xffff  }
0x8a: {  	s31 =	sor.u32 s22, s7;
	v13 =	vld [tilespmem:s0+$0x8000];
	[tilespmem:s26+$0x8500] =	vst v15;
	s0 =	sor.u32 s22, s14;
	s14 =	sor.u32 s22, s1  }
0x8b: {  	s18 =	sor.u32 s22, s4;
	s4 =	sand.u32 $0x10, s23;
	s1 =	sor.u32 s22, s5;
	[tilespmem:s26+$0x8580] =	vst v16;
	v14 =	vld.idx.msk [tilespmem:v6+s2+$0x0], $0xffff  }
0x8c: {  	p0 =	slt.u32 s23, $0x7F0;
	s25 =	sor.u32 s22, s8;
	s3 =	sadd.s32 s4, s3;
	[tilespmem:s26+$0x8600] =	vst v9;
	v15 =	vld.idx.msk [tilespmem:v4+s2+$0x0], $0xffff  }
0x8d: {  	s5 =	sshll.u32 s4, $0xA;
	s22 =	smov.u32 s6;
	s3 =	sshll.u32 s3, $0xA;
	[tilespmem:s26+$0x8680] =	vst v10;
	v16 =	vld.idx.msk [tilespmem:v3+s2+$0x0], $0xffff  }
0x8e: {  	s4 =	sor.u32 $0x400, s5;
	s6 =	sor.u32 $0x800, s5;
	s19 =	sor.u32 $0x3C00, s5;
	[tilespmem:s26+$0x8700] =	vst v7;
	v17 =	vld.idx.msk [tilespmem:v5+s2+$0x0], $0xffff  }
0x8f: {  	s7 =	sor.u32 $0x1000, s5;
	s8 =	sor.u32 $0x1400, s5;
	v18 =	vadd.s32 s5, v13;
	v19 =	vadd.s32 s4, v13;
	s4 =	sor.u32 $0xC00, s5;
	v20 =	vadd.s32 s19, v13;
	v21 =	vld.idx.msk [tilespmem:v2+s2+$0x0], $0xffff  }
0x90: {  	v22 =	vadd.s32 s6, v13;
	v9 =	vadd.s32 s7, v13;
	s6 =	sor.u32 $0x1C00, s5;
	s7 =	sor.u32 $0x2000, s5;
	v23 =	vadd.s32 s4, v13;
	s4 =	sor.u32 $0x1800, s5;
	v24 =	vld.idx.msk [tilespmem:v1+s2+$0x0], $0xffff  }
0x91: {  	v10 =	vadd.s32 s8, v13;
	s8 =	sor.u32 $0x2C00, s5;
	v8 =	vadd.s32 s6, v13;
	s6 =	sor.u32 $0x2800, s5;
	v7 =	vadd.s32 s4, v13;
	s4 =	sor.u32 $0x2400, s5;
	v11 =	vld.idx.msk [tilespmem:v0+s2+$0x0], $0xffff  }
0x92: {  	s9 =	sor.u32 $0x3400, s5;
	v6 =	vadd.s32 s7, v13;
	s7 =	sor.u32 $0x3000, s5;
	v3 =	vadd.s32 s6, v13;
	s5 =	sor.u32 $0x3800, s5;
	v4 =	vadd.s32 s4, v13;
	[tilespmem:s26+$0x8780] =	vst v12  }
0x93: {  	s10 =	sadd.s32 $0x8000, s3;
	v5 =	vadd.s32 s8, v13;
	v1 =	vadd.s32 s9, v13;
	s6 =	sand.u32 $0x6000, s6;
	v2 =	vadd.s32 s7, v13;
	s4 =	sand.u32 $0x6000, s4;
	[tilespmem:s0+$0x8400] =	vst v14  }
.Ltmp1:
0x94: {  	s3 =	sadd.s32 $0xA000, s3;
	v0 =	vadd.s32 s5, v13;
	s0 =	sand.u32 $0x6000, s8;
	v13 =	vld.idx.msk [tilespmem:v20+s2+$0x0], $0xffff;
	[tilespmem:s28+$0x10480] =	vst v15;
	(pc) =	sbr.rel @p0 .LBB2_4-.Ltmp1, $4  }
0x95: {  	s29 =	sand.u32 $0x6000, s9;
	s30 =	sand.u32 $0x6000, s7;
	s28 =	sand.u32 $0x6000, s5;
	v12 =	vld.idx.msk [tilespmem:v18+s2+$0x0], $0xffff;
	[tilespmem:s14+$0x10500] =	vst v16  }
0x96: {  	s5 =	sand.u32 $0x3FFFFC00, s10;
	s14 =	sand.u32 $0x3FFFFC00, s3;
	s3 =	sshll.u32 s23, $0x2;
	v14 =	vld.idx.msk [tilespmem:v19+s2+$0x0], $0xffff;
	[tilespmem:s18+$0x10580] =	vst v17  }
0x97: {  	s26 =	sor.u32 s22, s5;
	s18 =	sand.u32 $0x3FFFFC00, s3;
	s3 =	sand.u32 $0x6000, s19;
	v15 =	vld.idx.msk [tilespmem:v22+s2+$0x0], $0xffff;
	[tilespmem:s1+$0x10600] =	vst v21  }
0x98: {  	s19 =	sadd.s32 s18, s4;
	s1 =	sadd.s32 s18, s6;
	s3 =	sadd.s32 s18, s3;
	v16 =	vld.idx.msk [tilespmem:v23+s2+$0x0], $0xffff;
	[tilespmem:s31+$0x10680] =	vst v24  }
0x99: {  	_ =	sdelay $0x2  }
0x9a: {  	s3 =	sor.u32 s22, s3;
	[tilespmem:s25+$0x10700] =	vst v11  }
0x9b: {  	v9 =	vld.idx.msk [tilespmem:v9+s2+$0x0], $0xffff;
	[tilespmem:s3+$0x10780] =	vst v13  }
0x9c: {  	v10 =	vld.idx.msk [tilespmem:v10+s2+$0x0], $0xffff;
	[tilespmem:s26+$0x8400] =	vst v12  }
0x9d: {  	v7 =	vld.idx.msk [tilespmem:v7+s2+$0x0], $0xffff;
	[tilespmem:s26+$0x8480] =	vst v14  }
0x9e: {  	v8 =	vld.idx.msk [tilespmem:v8+s2+$0x0], $0xffff;
	[tilespmem:s26+$0x8500] =	vst v15  }
0x9f: {  	v6 =	vld.idx.msk [tilespmem:v6+s2+$0x0], $0xffff;
	[tilespmem:s26+$0x8580] =	vst v16  }
0xa0: {  	v4 =	vld.idx.msk [tilespmem:v4+s2+$0x0], $0xffff;
	[tilespmem:s26+$0x8600] =	vst v9  }
0xa1: {  	v3 =	vld.idx.msk [tilespmem:v3+s2+$0x0], $0xffff;
	[tilespmem:s26+$0x8680] =	vst v10  }
0xa2: {  	v5 =	vld.idx.msk [tilespmem:v5+s2+$0x0], $0xffff;
	[tilespmem:s26+$0x8700] =	vst v7  }
0xa3: {  	s24 =	sor.u32 s22, s14;
	v2 =	vld.idx.msk [tilespmem:v2+s2+$0x0], $0xffff;
	[tilespmem:s26+$0x8780] =	vst v8  }
0xa4: {  	s4 =	sor.u32 s22, s19;
	v1 =	vld.idx.msk [tilespmem:v1+s2+$0x0], $0xffff;
	[tilespmem:s24+$0x8400] =	vst v6  }
0xa5: {  	s0 =	sadd.s32 s18, s0;
	s1 =	sor.u32 s22, s1;
	v0 =	vld.idx.msk [tilespmem:v0+s2+$0x0], $0xffff;
	[tilespmem:s4+$0x10480] =	vst v4  }
0xa6: {  	s25 =	sadd.s32 s18, s30;
	s0 =	sor.u32 s22, s0;
	[tilespmem:s1+$0x10500] =	vst v3  }
0xa7: {  	s3 =	sor.u32 s22, s25;
	s26 =	sadd.s32 s18, s29;
	[tilespmem:s0+$0x10580] =	vst v5  }
0xa8: {  	s4 =	sadd.s32 s18, s28;
	[tilespmem:s3+$0x10600] =	vst v2;
	s1 =	sor.u32 s22, s26  }
0xa9: {  	s0 =	sor.u32 s22, s4;
	[tilespmem:s1+$0x10680] =	vst v1  }
0xaa: {  	[tilespmem:s0+$0x10700] =	vst v0  }
0xab: {  	s5 =	simm.s32 $0x0;
	s6 =	simm.s32 $0x10400;
	s1 =	rddreg [dreg:$0x7]  }
0xac: {  	[hbm4b:s1+s5] =	stream.linear.scatter [tilespmem:s6], [sflag:$0x1], $0x8000, $0x38;
	[tilespmem:$0x18400] =	vst v63  }
0xad: {  	s10 =	simm.s32 $0x8000;
	s7 =	rddreg [dreg:$0x8]  }
0xae: {  	[tilespmem:s10], [sflag:$0x2] =	stream.strided.gather [hbm4b:s7+s13], $0x400, s17, s13, $0x38;
	[tilespmem:$0x18400] =	vst v63  }
0xaf: {  	_ =	swait.ge [sflag:s15], $0x400  }
0xb0: {  	[sflag:s15] =	ssyncset.done $0x0  }
0xb1: {  	[sflag:s15] =	ssyncadd.s32 $0xFFFFFC00  }
0xb2: {  	s8 =	simm.s32 $0x0;
	_ =	swait.ge [sflag:s20], $0x8000  }
0xb3: {  	s0 =	sand.u32 $0x70, s5;
	s1 =	sand.u32 $0x3FFFFF80, s8;
	[sflag:s20] =	ssyncset.done $0x0  }
0xb4: {  	s1 =	sor.u32 s0, s1;
	[sflag:s20] =	ssyncadd.s32 $0xFFFF8000  }
0xb5: {  	v1 =	vld [tilespmem:s1+$0x8000]  }
0xb6: {  	s9 =	simm.s32 $0x0  }
0xb7: {  	s1 =	sand.u32 $0x10, s9  }
0xb8: {  	s3 =	sshll.u32 s1, $0xA  }
0xb9: {  	s11 =	sor.u32 $0x3C00, s3  }
0xba: {  	s5 =	sor.u32 $0x3400, s3;
	v0 =	vadd.s32 s11, v1  }
0xbb: {  	s12 =	sor.u32 $0x2400, s3;
	v2 =	vadd.s32 s5, v1  }
0xbc: {  	s14 =	sor.u32 $0x2800, s3;
	v3 =	vadd.s32 s12, v1  }
0xbd: {  	s16 =	sor.u32 $0x2C00, s3;
	v4 =	vadd.s32 s14, v1  }
0xbe: {  	s18 =	sor.u32 $0x3000, s3;
	v5 =	vadd.s32 s16, v1  }
0xbf: {  	s6 =	sor.u32 $0x3800, s3;
	v6 =	vadd.s32 s18, v1;
	v0 =	vld.idx.msk [tilespmem:v0+s2+$0x0], $0xffff  }
0xc0: {  	v7 =	vadd.s32 s6, v1;
	s14 =	sor.u32 $0x1000, s3;
	v2 =	vld.idx.msk [tilespmem:v2+s2+$0x0], $0xffff  }
0xc1: {  	s19 =	sor.u32 $0x8, s1;
	v59 =	vadd.s32 s14, v1;
	v3 =	vld.idx.msk [tilespmem:v3+s2+$0x0], $0xffff  }
0xc2: {  	s24 =	sadd.s32 $0x0, s19;
	s25 =	sor.u32 $0x400, s3;
	v4 =	vld.idx.msk [tilespmem:v4+s2+$0x0], $0xffff  }
0xc3: {  	s8 =	simm.s32 $0x8;
	s7 =	sor.u32 $0x1C00, s3;
	s4 =	sshll.u32 s24, $0xA;
	v8 =	vadd.s32 s25, v1;
	v5 =	vld.idx.msk [tilespmem:v5+s2+$0x0], $0xffff  }
0xc4: {  	s9 =	simm.s32 $0x8;
	s26 =	sor.u32 $0x800, s3;
	s4 =	sand.u32 $0x3FFFFC00, s4;
	v9 =	vadd.s32 s7, v1;
	v6 =	vld.idx.msk [tilespmem:v6+s2+$0x0], $0xffff  }
0xc5: {  	s22 =	sand.u32 $0x70, s8;
	s11 =	sor.u32 $0xC00, s3;
	s12 =	sand.u32 $0x3FFFFF80, s9;
	v10 =	vadd.s32 s26, v1;
	v7 =	vld.idx.msk [tilespmem:v7+s2+$0x0], $0xffff  }
0xc6: {  	s23 =	sor.u32 s0, s4;
	s16 =	sor.u32 s22, s12;
	v11 =	vadd.s32 s11, v1;
	v12 =	vld.idx.msk [tilespmem:v59+s2+$0x0], $0xffff  }
0xc7: {  	s18 =	sor.u32 $0x1400, s3;
	[tilespmem:s23+$0x8780] =	vst v0;
	v0 =	vld [tilespmem:s16+$0x8000]  }
0xc8: {  	s5 =	sshll.u32 s19, $0xA;
	s25 =	simm.s32 $0x10;
	[tilespmem:s23+$0x8680] =	vst v2;
	v2 =	vld.idx.msk [tilespmem:v8+s2+$0x0], $0xffff;
	v8 =	vadd.s32 s18, v1  }
0xc9: {  	v60 =	vadd.s32 s5, v1;
	s19 =	sand.u32 $0x10, s25;
	[tilespmem:s23+$0x8480] =	vst v3;
	v3 =	vld.idx.msk [tilespmem:v9+s2+$0x0], $0xffff  }
0xca: {  	s1 =	sadd.s32 $0x0, s1;
	s24 =	sshll.u32 s19, $0xA;
	v9 =	vadd.s32 s3, v1;
	s3 =	sor.u32 $0x1800, s3;
	[tilespmem:s23+$0x8500] =	vst v4;
	v4 =	vld.idx.msk [tilespmem:v10+s2+$0x0], $0xffff  }
0xcb: {  	s1 =	sshll.u32 s1, $0xA;
	s26 =	sor.u32 $0x3C00, s24;
	[tilespmem:s23+$0x8580] =	vst v5;
	v10 =	vld.idx.msk [tilespmem:v11+s2+$0x0], $0xffff;
	v1 =	vadd.s32 s3, v1  }
0xcc: {  	s1 =	sand.u32 $0x3FFFFC00, s1;
	s6 =	sor.u32 $0x3400, s24;
	[tilespmem:s23+$0x8600] =	vst v6;
	v5 =	vadd.s32 s26, v0  }
0xcd: {  	s30 =	sor.u32 s0, s1;
	s8 =	sor.u32 $0x2400, s24;
	[tilespmem:s23+$0x8700] =	vst v7;
	v61 =	vadd.s32 s6, v0;
	v62 =	vld.idx.msk [tilespmem:v8+s2+$0x0], $0xffff  }
0xce: {  	s29 =	simm.s32 $0x10;
	s16 =	sor.u32 $0x2800, s24;
	[tilespmem:s30+$0x8600] =	vst v12;
	v63 =	vadd.s32 s8, v0;
	v8 =	vld.idx.msk [tilespmem:v60+s2+$0x0], $0xffff  }
0xcf: {  	s7 =	sor.u32 $0x8, s19;
	s11 =	sadd.s32 $0x0, s19;
	s18 =	sor.u32 $0x2C00, s24;
	[tilespmem:s30+$0x8480] =	vst v2;
	v6 =	vld.idx.msk [tilespmem:v9+s2+$0x0], $0xffff;
	v11 =	vadd.s32 s16, v0  }
0xd0: {  	s9 =	sadd.s32 $0x0, s7;
	s28 =	sor.u32 $0x400, s24;
	s19 =	sor.u32 $0x3000, s24;
	[tilespmem:s30+$0x8580] =	vst v10;
	v10 =	vadd.s32 s18, v0;
	v7 =	vld.idx.msk [tilespmem:v1+s2+$0x0], $0xffff  }
0xd1: {  	s1 =	sshll.u32 s11, $0xA;
	s14 =	sor.u32 $0x3800, s24;
	s0 =	sshll.u32 s9, $0xA;
	[tilespmem:s30+$0x8780] =	vst v3;
	v9 =	vadd.s32 s19, v0;
	v5 =	vld.idx.msk [tilespmem:v5+s2+$0x0], $0xffff  }
0xd2: {  	s12 =	sshll.u32 s7, $0xA;
	s31 =	sand.u32 $0x3FFFFC00, s0;
	s0 =	sor.u32 $0x1C00, s24;
	[tilespmem:s30+$0x8500] =	vst v4;
	v2 =	vadd.s32 s14, v0;
	v3 =	vld.idx.msk [tilespmem:v61+s2+$0x0], $0xffff  }
0xd3: {  	s26 =	sand.u32 $0x3FFFFC00, s1;
	s1 =	sor.u32 $0x800, s24;
	s14 =	sor.u32 $0x1000, s24;
	v1 =	vadd.s32 s12, v0;
	v4 =	vld.idx.msk [tilespmem:v63+s2+$0x0], $0xffff;
	[tilespmem:s30+$0x8680] =	vst v62  }
.LBB2_6:
0xd4: {  	s25 =	sadd.s32 $0x10, s25;
	v12 =	vadd.s32 s24, v0;
	v13 =	vadd.s32 s28, v0;
	s3 =	sor.u32 $0xC00, s24;
	v11 =	vld.idx.msk [tilespmem:v11+s2+$0x0], $0xffff;
	[tilespmem:s23+$0x8400] =	vst v8;
	s23 =	sor.u32 s22, s31  }
0xd5: {  	v8 =	vadd.s32 s0, v0;
	s4 =	sand.u32 $0x10, s25;
	s5 =	sshrl.u32 s25, $0x8;
	s6 =	sshrl.u32 s25, $0x1;
	v10 =	vld.idx.msk [tilespmem:v10+s2+$0x0], $0xffff;
	[tilespmem:s30+$0x8400] =	vst v6  }
0xd6: {  	s7 =	sand.u32 $0x70, s29;
	v6 =	vadd.s32 s1, v0;
	s0 =	sand.u32 $0x3FFFFF80, s6;
	s6 =	sshll.u32 s4, $0xA;
	v9 =	vld.idx.msk [tilespmem:v9+s2+$0x0], $0xffff;
	[tilespmem:s30+$0x8700] =	vst v7  }
0xd7: {  	s1 =	sor.u32 $0x8, s4;
	v7 =	vadd.s32 s3, v0;
	s0 =	sor.u32 s7, s0;
	s28 =	sor.u32 $0x400, s6;
	v14 =	vld.idx.msk [tilespmem:v2+s2+$0x0], $0xffff;
	[tilespmem:s23+$0x8780] =	vst v5  }
0xd8: {  	v15 =	vadd.s32 s14, v0;
	s8 =	sor.u32 $0x1400, s24;
	s3 =	sor.u32 $0x2400, s6;
	v5 =	vld [tilespmem:s0+$0x8000];
	s0 =	sadd.s32 s5, s1;
	[tilespmem:s23+$0x8680] =	vst v3  }
0xd9: {  	p0 =	slt.u32 s25, $0x7F0;
	s4 =	sadd.s32 s5, s4;
	s0 =	sshll.u32 s0, $0xA;
	v3 =	vld.idx.msk [tilespmem:v13+s2+$0x0], $0xffff;
	v13 =	vadd.s32 s8, v0;
	[tilespmem:s23+$0x8480] =	vst v4  }
0xda: {  	s4 =	sshll.u32 s4, $0xA;
	s31 =	sand.u32 $0x3FFFFC00, s0;
	s0 =	sor.u32 $0x1800, s24;
	v4 =	vld.idx.msk [tilespmem:v8+s2+$0x0], $0xffff;
	[tilespmem:s23+$0x8500] =	vst v11  }
0xdb: {  	s4 =	sand.u32 $0x3FFFFC00, s4;
	s5 =	sor.u32 $0x3C00, s6;
	s24 =	smov.u32 s6;
	v16 =	vld.idx.msk [tilespmem:v6+s2+$0x0], $0xffff;
	v17 =	vadd.s32 s0, v0;
	[tilespmem:s23+$0x8580] =	vst v10  }
0xdc: {  	s1 =	sshll.u32 s1, $0xA;
	s0 =	sor.u32 $0x1C00, s24;
	s6 =	sor.u32 $0x3800, s24;
	v18 =	vld.idx.msk [tilespmem:v7+s2+$0x0], $0xffff;
	[tilespmem:s23+$0x8600] =	vst v9  }
0xdd: {  	s8 =	sor.u32 $0x3400, s24;
	v6 =	vadd.s32 s1, v5;
	v2 =	vadd.s32 s6, v5;
	v19 =	vadd.s32 s5, v5;
	v15 =	vld.idx.msk [tilespmem:v15+s2+$0x0], $0xffff;
	v0 =	vmovc v5  }
0xde: {  	s30 =	sor.u32 s22, s26;
	s22 =	smov.u32 s7;
	s1 =	sor.u32 $0x800, s24;
	v20 =	vadd.s32 s3, v0;
	v21 =	vadd.s32 s8, v0;
	v13 =	vld.idx.msk [tilespmem:v13+s2+$0x0], $0xffff;
	[tilespmem:s23+$0x8700] =	vst v14  }
0xdf: {  	s26 =	smov.u32 s4;
	s3 =	sor.u32 $0x2800, s24;
	[tilespmem:s30+$0x8480] =	vst v3;
	v8 =	vld.idx.msk [tilespmem:v1+s2+$0x0], $0xffff;
	v1 =	vmov v6  }
.Ltmp2:
0xe0: {  	v11 =	vadd.s32 s3, v0;
	s3 =	sor.u32 $0x2C00, s24;
	v6 =	vld.idx.msk [tilespmem:v12+s2+$0x0], $0xffff;
	[tilespmem:s30+$0x8780] =	vst v4;
	(pc) =	sbr.rel @p0 .LBB2_6-.Ltmp2, $4  }
0xe1: {  	v10 =	vadd.s32 s3, v0;
	s3 =	sor.u32 $0x3000, s24;
	[tilespmem:s30+$0x8500] =	vst v16;
	v7 =	vld.idx.msk [tilespmem:v17+s2+$0x0], $0xffff  }
0xe2: {  	v9 =	vadd.s32 s3, v0;
	v5 =	vld.idx.msk [tilespmem:v19+s2+$0x0], $0xffff;
	[tilespmem:s30+$0x8580] =	vst v18  }
0xe3: {  	v3 =	vld.idx.msk [tilespmem:v21+s2+$0x0], $0xffff;
	[tilespmem:s30+$0x8600] =	vst v15  }
0xe4: {  	s29 =	sadd.s32 $0x8, s29;
	s14 =	sor.u32 $0x1000, s24;
	v4 =	vld.idx.msk [tilespmem:v20+s2+$0x0], $0xffff;
	[tilespmem:s30+$0x8680] =	vst v13  }
0xe5: {  	_ =	sdelay $0x3  }
0xe6: {  	[tilespmem:s23+$0x8400] =	vst v8;
	v8 =	vld.idx.msk [tilespmem:v11+s2+$0x0], $0xffff  }
0xe7: {  	v12 =	vadd.s32 s28, v0;
	[tilespmem:s30+$0x8400] =	vst v6;
	v6 =	vld.idx.msk [tilespmem:v10+s2+$0x0], $0xffff  }
0xe8: {  	v11 =	vadd.s32 s0, v0;
	s3 =	sor.u32 s22, s31;
	v2 =	vld.idx.msk [tilespmem:v2+s2+$0x0], $0xffff;
	[tilespmem:s30+$0x8700] =	vst v7  }
0xe9: {  	s19 =	sor.u32 $0xC00, s24;
	v10 =	vadd.s32 s1, v0;
	v1 =	vld.idx.msk [tilespmem:v1+s2+$0x0], $0xffff;
	[tilespmem:s3+$0x8780] =	vst v5  }
0xea: {  	v7 =	vld.idx.msk [tilespmem:v9+s2+$0x0], $0xffff;
	v9 =	vadd.s32 s19, v0;
	[tilespmem:s3+$0x8680] =	vst v3  }
0xeb: {  	s23 =	sor.u32 $0x1400, s24;
	v5 =	vadd.s32 s14, v0;
	[tilespmem:s3+$0x8480] =	vst v4  }
0xec: {  	v3 =	vld.idx.msk [tilespmem:v12+s2+$0x0], $0xffff;
	v12 =	vadd.s32 s23, v0;
	[tilespmem:s3+$0x8500] =	vst v8  }
0xed: {  	s25 =	sor.u32 $0x1800, s24;
	v4 =	vld.idx.msk [tilespmem:v11+s2+$0x0], $0xffff;
	v8 =	vadd.s32 s24, v0;
	[tilespmem:s3+$0x8580] =	vst v6  }
0xee: {  	v10 =	vld.idx.msk [tilespmem:v10+s2+$0x0], $0xffff;
	v0 =	vadd.s32 s25, v0;
	[tilespmem:s3+$0x8700] =	vst v2  }
0xef: {  	[tilespmem:s3+$0x8400] =	vst v1;
	v6 =	vld.idx.msk [tilespmem:v9+s2+$0x0], $0xffff  }
0xf0: {  	s26 =	sor.u32 s22, s26;
	[tilespmem:s3+$0x8600] =	vst v7;
	v5 =	vld.idx.msk [tilespmem:v5+s2+$0x0], $0xffff  }
0xf1: {  	v2 =	vld.idx.msk [tilespmem:v12+s2+$0x0], $0xffff;
	[tilespmem:s26+$0x8480] =	vst v3  }
0xf2: {  	[tilespmem:s26+$0x8780] =	vst v4;
	v3 =	vld.idx.msk [tilespmem:v8+s2+$0x0], $0xffff  }
0xf3: {  	[tilespmem:s26+$0x8500] =	vst v10;
	v0 =	vld.idx.msk [tilespmem:v0+s2+$0x0], $0xffff  }
0xf4: {  	[tilespmem:s26+$0x8580] =	vst v6  }
0xf5: {  	[tilespmem:s26+$0x8600] =	vst v5  }
0xf6: {  	[tilespmem:s26+$0x8680] =	vst v2  }
0xf7: {  	[tilespmem:s26+$0x8400] =	vst v3  }
0xf8: {  	[tilespmem:s26+$0x8700] =	vst v0  }
0xf9: {  	s31 =	simm.s32 $0x0;
	s4 =	simm.s32 $0x8400;
	s3 =	rddreg [dreg:$0x9]  }
0xfa: {  	[hbm4b:s3+s31] =	stream.linear.scatter [tilespmem:s4], [sflag:$0x1], $0x8000, $0x38;
	[tilespmem:$0x18400] =	vst v63  }
0xfb: {  	s5 =	rddreg [dreg:$0xa]  }
0xfc: {  	[tilespmem:s10], [sflag:$0x2] =	stream.strided.gather [hbm4b:s5+s13], $0x400, s17, s13, $0x38;
	[tilespmem:$0x18400] =	vst v63  }
0xfd: {  	_ =	swait.ge [sflag:s15], $0x400  }
0xfe: {  	[sflag:s15] =	ssyncset.done $0x0  }
0xff: {  	[sflag:s15] =	ssyncadd.s32 $0xFFFFFC00  }
0x100: {  	s6 =	simm.s32 $0x0;
	s8 =	simm.s32 $0x0;
	_ =	swait.ge [sflag:s20], $0x8000  }
0x101: {  	s7 =	sand.u32 $0x3FFFFF80, s6;
	s25 =	sand.u32 $0x70, s31;
	[sflag:s20] =	ssyncset.done $0x0  }
0x102: {  	s9 =	sand.u32 $0x10, s8;
	s0 =	sor.u32 s25, s7;
	[sflag:s20] =	ssyncadd.s32 $0xFFFF8000  }
0x103: {  	s1 =	sshll.u32 s9, $0xA;
	v0 =	vld [tilespmem:s0+$0x8000]  }
0x104: {  	s6 =	sor.u32 $0xC00, s1  }
0x105: {  	s8 =	sor.u32 $0x1400, s1;
	s11 =	sor.u32 $0x2000, s1;
	s12 =	sor.u32 $0x2400, s1  }
0x106: {  	s16 =	sor.u32 $0x2800, s1;
	s18 =	sor.u32 $0x2C00, s1;
	s0 =	sadd.s32 $0x0, s9  }
0x107: {  	s10 =	sor.u32 $0x400, s1;
	s5 =	sor.u32 $0x3C00, s1;
	s0 =	sshll.u32 s0, $0xA  }
0x108: {  	s13 =	sor.u32 $0x1C00, s1;
	s9 =	sor.u32 $0x1800, s1;
	s24 =	sadd.s32 $0x8000, s0;
	v1 =	vadd.s32 s5, v0  }
0x109: {  	v2 =	vadd.s32 s1, v0;
	v5 =	vadd.s32 s6, v0;
	s6 =	sand.u32 $0x3FFFFC00, s24;
	v9 =	vadd.s32 s13, v0;
	s13 =	simm.s32 $0x8;
	s24 =	simm.s32 $0x8  }
0x10a: {  	s4 =	sor.u32 $0x800, s1;
	v3 =	vadd.s32 s10, v0;
	v8 =	vadd.s32 s9, v0;
	s22 =	sand.u32 $0x70, s24;
	s9 =	sand.u32 $0x3FFFFF80, s13  }
0x10b: {  	s28 =	sor.u32 $0x3400, s1;
	s14 =	sor.u32 $0x3800, s1;
	v4 =	vadd.s32 s4, v0;
	s9 =	sor.u32 s22, s9  }
0x10c: {  	s19 =	sand.u32 $0x6000, s18;
	s29 =	sand.u32 $0x6000, s14;
	s23 =	sand.u32 $0x6000, s16;
	v12 =	vadd.s32 s16, v0;
	v16 =	vld [tilespmem:s9+$0x8000]  }
0x10d: {  	s7 =	sor.u32 $0x1000, s1;
	s26 =	sand.u32 $0x6000, s28;
	s3 =	sor.u32 $0x3000, s1;
	v1 =	vld.idx.msk [tilespmem:v1+s2+$0x0], $0xffff  }
0x10e: {  	s31 =	simm.s32 $0x0;
	s17 =	sand.u32 $0x6000, s12;
	s0 =	sadd.s32 $0xA000, s0;
	v6 =	vadd.s32 s7, v0;
	v2 =	vld.idx.msk [tilespmem:v2+s2+$0x0], $0xffff  }
0x10f: {  	s7 =	sand.u32 $0x6000, s3;
	v7 =	vadd.s32 s8, v0;
	s8 =	sand.u32 $0x3FFFFC00, s0;
	s5 =	sand.u32 $0x6000, s5;
	v3 =	vld.idx.msk [tilespmem:v3+s2+$0x0], $0xffff  }
0x110: {  	s0 =	sor.u32 s25, s6;
	s6 =	sand.u32 $0x3FFFFC00, s31;
	s8 =	sor.u32 s25, s8;
	v4 =	vld.idx.msk [tilespmem:v4+s2+$0x0], $0xffff  }
0x111: {  	s1 =	sadd.s32 s6, s17;
	s4 =	sadd.s32 s6, s23;
	s5 =	sadd.s32 s6, s5;
	v14 =	vld.idx.msk [tilespmem:v12+s2+$0x0], $0xffff  }
0x112: {  	v10 =	vadd.s32 s11, v0;
	s23 =	simm.s32 $0x10;
	s17 =	sadd.s32 s6, s19;
	s5 =	sor.u32 s25, s5;
	v5 =	vld.idx.msk [tilespmem:v5+s2+$0x0], $0xffff  }
0x113: {  	v11 =	vadd.s32 s12, v0;
	s7 =	sadd.s32 s6, s7;
	s31 =	sadd.s32 s6, s26;
	s6 =	sadd.s32 s6, s29;
	v6 =	vld.idx.msk [tilespmem:v6+s2+$0x0], $0xffff;
	[tilespmem:s5+$0x10780] =	vst v1  }
0x114: {  	s9 =	sor.u32 s25, s1;
	s19 =	sor.u32 s25, s4;
	s26 =	sor.u32 s25, s7;
	v7 =	vld.idx.msk [tilespmem:v7+s2+$0x0], $0xffff;
	v1 =	vadd.s32 s18, v0;
	[tilespmem:s0+$0x8400] =	vst v2  }
0x115: {  	s1 =	sor.u32 s25, s31;
	v2 =	vld.idx.msk [tilespmem:v8+s2+$0x0], $0xffff;
	s18 =	sor.u32 s25, s17;
	v8 =	vadd.s32 s3, v0;
	[tilespmem:s0+$0x8480] =	vst v3;
	s5 =	sand.u32 $0x10, s23  }
0x116: {  	v3 =	vld.idx.msk [tilespmem:v9+s2+$0x0], $0xffff;
	v9 =	vadd.s32 s28, v0;
	s25 =	sor.u32 s25, s6;
	[tilespmem:s19+$0x10500] =	vst v14;
	s19 =	simm.s32 $0x40;
	s4 =	sshll.u32 s5, $0xA  }
0x117: {  	[tilespmem:s0+$0x8500] =	vst v4;
	v4 =	vld.idx.msk [tilespmem:v10+s2+$0x0], $0xffff;
	v0 =	vadd.s32 s14, v0;
	s3 =	sadd.s32 $0x0, s5;
	s6 =	sor.u32 $0x400, s4;
	s13 =	sor.u32 $0x800, s4  }
0x118: {  	[tilespmem:s0+$0x8580] =	vst v5;
	v5 =	vld.idx.msk [tilespmem:v11+s2+$0x0], $0xffff;
	s7 =	sor.u32 $0x3C00, s4;
	s10 =	sor.u32 $0xC00, s4;
	s11 =	sor.u32 $0x1000, s4;
	v12 =	vadd.s32 s4, v16  }
0x119: {  	[tilespmem:s0+$0x8600] =	vst v6;
	s12 =	sor.u32 $0x1400, s4;
	s14 =	sor.u32 $0x1800, s4;
	s16 =	sor.u32 $0x1C00, s4;
	v6 =	vadd.s32 s7, v16;
	v1 =	vld.idx.msk [tilespmem:v1+s2+$0x0], $0xffff  }
0x11a: {  	s28 =	sor.u32 $0x2000, s4;
	s5 =	sor.u32 $0x2400, s4;
	v17 =	vadd.s32 s13, v16;
	s13 =	sor.u32 $0x3400, s4;
	[tilespmem:s0+$0x8700] =	vst v2;
	v2 =	vadd.s32 s6, v16;
	v15 =	vld.idx.msk [tilespmem:v8+s2+$0x0], $0xffff  }
0x11b: {  	[tilespmem:s0+$0x8680] =	vst v7;
	s31 =	sor.u32 $0x2800, s4;
	s17 =	sor.u32 $0x2C00, s4;
	s29 =	sand.u32 $0x6000, s13;
	v18 =	vld.idx.msk [tilespmem:v9+s2+$0x0], $0xffff  }
0x11c: {  	v19 =	vadd.s32 s10, v16;
	s6 =	sor.u32 $0x3000, s4;
	[tilespmem:s0+$0x8780] =	vst v3;
	s4 =	sor.u32 $0x3800, s4;
	v9 =	vadd.s32 s11, v16;
	v11 =	vld.idx.msk [tilespmem:v0+s2+$0x0], $0xffff;
	s11 =	sshll.u32 s3, $0xA  }
0x11d: {  	v10 =	vadd.s32 s12, v16;
	v7 =	vadd.s32 s14, v16;
	s3 =	sand.u32 $0x6000, s5;
	[tilespmem:s8+$0x8400] =	vst v4;
	s8 =	sand.u32 $0x6000, s31;
	s0 =	sand.u32 $0x6000, s17;
	v12 =	vld.idx.msk [tilespmem:v12+s2+$0x0], $0xffff  }
0x11e: {  	[tilespmem:s9+$0x10480] =	vst v5;
	v8 =	vadd.s32 s16, v16;
	v3 =	vadd.s32 s31, v16;
	s31 =	sand.u32 $0x6000, s7;
	s12 =	sadd.s32 $0x8000, s11;
	s14 =	sadd.s32 $0xA000, s11;
	v13 =	vld.idx.msk [tilespmem:v6+s2+$0x0], $0xffff  }
0x11f: {  	v4 =	vadd.s32 s5, v16;
	v5 =	vadd.s32 s17, v16;
	s30 =	sand.u32 $0x6000, s6;
	s16 =	sand.u32 $0x3FFFFC00, s12;
	s14 =	sand.u32 $0x3FFFFC00, s14;
	v14 =	vld.idx.msk [tilespmem:v2+s2+$0x0], $0xffff;
	[tilespmem:s18+$0x10580] =	vst v1  }
0x120: {  	v0 =	vadd.s32 s4, v16;
	v6 =	vadd.s32 s28, v16;
	s28 =	sand.u32 $0x6000, s4;
	[tilespmem:s26+$0x10600] =	vst v15;
	s26 =	sor.u32 s22, s16;
	v15 =	vld.idx.msk [tilespmem:v17+s2+$0x0], $0xffff;
	s18 =	sand.u32 $0x3FFFFC00, s19  }
0x121: {  	v2 =	vadd.s32 s6, v16;
	v1 =	vadd.s32 s13, v16;
	[tilespmem:s1+$0x10680] =	vst v18;
	v16 =	vld.idx.msk [tilespmem:v19+s2+$0x0], $0xffff;
	s19 =	sadd.s32 s18, s3;
	s1 =	sadd.s32 s18, s8;
	s3 =	sadd.s32 s18, s31  }
.LBB2_8:
0x122: {  	s23 =	sadd.s32 $0x10, s23  }
0x123: {  	v9 =	vld.idx.msk [tilespmem:v9+s2+$0x0], $0xffff;
	s4 =	sadd.s32 s18, s0;
	s0 =	sor.u32 s22, s3;
	[tilespmem:s25+$0x10700] =	vst v11;
	s24 =	sadd.s32 $0x8, s24  }
0x124: {  	s7 =	sadd.s32 s18, s29;
	s3 =	sshrl.u32 s23, $0x8;
	s5 =	sshrl.u32 s23, $0x1;
	v10 =	vld.idx.msk [tilespmem:v10+s2+$0x0], $0xffff;
	[tilespmem:s0+$0x10780] =	vst v13  }
0x125: {  	s6 =	sand.u32 $0x70, s24;
	s0 =	sand.u32 $0x3FFFFF80, s5;
	[tilespmem:s26+$0x8400] =	vst v12;
	v7 =	vld.idx.msk [tilespmem:v7+s2+$0x0], $0xffff;
	s5 =	sadd.s32 s18, s30  }
0x126: {  	s8 =	sadd.s32 s18, s28;
	s28 =	sor.u32 s22, s19;
	s0 =	sor.u32 s6, s0;
	[tilespmem:s26+$0x8480] =	vst v14;
	v12 =	vld.idx.msk [tilespmem:v8+s2+$0x0], $0xffff  }
0x127: {  	s31 =	sor.u32 s22, s7;
	v13 =	vld [tilespmem:s0+$0x8000];
	[tilespmem:s26+$0x8500] =	vst v15;
	s0 =	sor.u32 s22, s14;
	s14 =	sor.u32 s22, s1  }
0x128: {  	s18 =	sor.u32 s22, s4;
	s4 =	sand.u32 $0x10, s23;
	s1 =	sor.u32 s22, s5;
	[tilespmem:s26+$0x8580] =	vst v16;
	v14 =	vld.idx.msk [tilespmem:v6+s2+$0x0], $0xffff  }
0x129: {  	p0 =	slt.u32 s23, $0x7F0;
	s25 =	sor.u32 s22, s8;
	s3 =	sadd.s32 s4, s3;
	[tilespmem:s26+$0x8600] =	vst v9;
	v15 =	vld.idx.msk [tilespmem:v4+s2+$0x0], $0xffff  }
0x12a: {  	s5 =	sshll.u32 s4, $0xA;
	s22 =	smov.u32 s6;
	s3 =	sshll.u32 s3, $0xA;
	[tilespmem:s26+$0x8680] =	vst v10;
	v16 =	vld.idx.msk [tilespmem:v3+s2+$0x0], $0xffff  }
0x12b: {  	s4 =	sor.u32 $0x400, s5;
	s6 =	sor.u32 $0x800, s5;
	s19 =	sor.u32 $0x3C00, s5;
	[tilespmem:s26+$0x8700] =	vst v7;
	v17 =	vld.idx.msk [tilespmem:v5+s2+$0x0], $0xffff  }
0x12c: {  	s7 =	sor.u32 $0x1000, s5;
	s8 =	sor.u32 $0x1400, s5;
	v18 =	vadd.s32 s5, v13;
	v19 =	vadd.s32 s4, v13;
	s4 =	sor.u32 $0xC00, s5;
	v20 =	vadd.s32 s19, v13;
	v21 =	vld.idx.msk [tilespmem:v2+s2+$0x0], $0xffff  }
0x12d: {  	v22 =	vadd.s32 s6, v13;
	v9 =	vadd.s32 s7, v13;
	s6 =	sor.u32 $0x1C00, s5;
	s7 =	sor.u32 $0x2000, s5;
	v23 =	vadd.s32 s4, v13;
	s4 =	sor.u32 $0x1800, s5;
	v24 =	vld.idx.msk [tilespmem:v1+s2+$0x0], $0xffff  }
0x12e: {  	v10 =	vadd.s32 s8, v13;
	s8 =	sor.u32 $0x2C00, s5;
	v8 =	vadd.s32 s6, v13;
	s6 =	sor.u32 $0x2800, s5;
	v7 =	vadd.s32 s4, v13;
	s4 =	sor.u32 $0x2400, s5;
	v11 =	vld.idx.msk [tilespmem:v0+s2+$0x0], $0xffff  }
0x12f: {  	s9 =	sor.u32 $0x3400, s5;
	v6 =	vadd.s32 s7, v13;
	s7 =	sor.u32 $0x3000, s5;
	v3 =	vadd.s32 s6, v13;
	s5 =	sor.u32 $0x3800, s5;
	v4 =	vadd.s32 s4, v13;
	[tilespmem:s26+$0x8780] =	vst v12  }
0x130: {  	s10 =	sadd.s32 $0x8000, s3;
	v5 =	vadd.s32 s8, v13;
	v1 =	vadd.s32 s9, v13;
	s6 =	sand.u32 $0x6000, s6;
	v2 =	vadd.s32 s7, v13;
	s4 =	sand.u32 $0x6000, s4;
	[tilespmem:s0+$0x8400] =	vst v14  }
.Ltmp3:
0x131: {  	s3 =	sadd.s32 $0xA000, s3;
	v0 =	vadd.s32 s5, v13;
	s0 =	sand.u32 $0x6000, s8;
	v13 =	vld.idx.msk [tilespmem:v20+s2+$0x0], $0xffff;
	[tilespmem:s28+$0x10480] =	vst v15;
	(pc) =	sbr.rel @p0 .LBB2_8-.Ltmp3, $4  }
0x132: {  	s29 =	sand.u32 $0x6000, s9;
	s30 =	sand.u32 $0x6000, s7;
	s28 =	sand.u32 $0x6000, s5;
	v12 =	vld.idx.msk [tilespmem:v18+s2+$0x0], $0xffff;
	[tilespmem:s14+$0x10500] =	vst v16  }
0x133: {  	s5 =	sand.u32 $0x3FFFFC00, s10;
	s14 =	sand.u32 $0x3FFFFC00, s3;
	s3 =	sshll.u32 s23, $0x2;
	v14 =	vld.idx.msk [tilespmem:v19+s2+$0x0], $0xffff;
	[tilespmem:s18+$0x10580] =	vst v17  }
0x134: {  	s26 =	sor.u32 s22, s5;
	s18 =	sand.u32 $0x3FFFFC00, s3;
	s3 =	sand.u32 $0x6000, s19;
	v15 =	vld.idx.msk [tilespmem:v22+s2+$0x0], $0xffff;
	[tilespmem:s1+$0x10600] =	vst v21  }
0x135: {  	s19 =	sadd.s32 s18, s4;
	s1 =	sadd.s32 s18, s6;
	s3 =	sadd.s32 s18, s3;
	v16 =	vld.idx.msk [tilespmem:v23+s2+$0x0], $0xffff;
	[tilespmem:s31+$0x10680] =	vst v24  }
0x136: {  	_ =	sdelay $0x2  }
0x137: {  	s3 =	sor.u32 s22, s3;
	[tilespmem:s25+$0x10700] =	vst v11  }
0x138: {  	v9 =	vld.idx.msk [tilespmem:v9+s2+$0x0], $0xffff;
	[tilespmem:s3+$0x10780] =	vst v13  }
0x139: {  	v10 =	vld.idx.msk [tilespmem:v10+s2+$0x0], $0xffff;
	[tilespmem:s26+$0x8400] =	vst v12  }
0x13a: {  	v7 =	vld.idx.msk [tilespmem:v7+s2+$0x0], $0xffff;
	[tilespmem:s26+$0x8480] =	vst v14  }
0x13b: {  	v8 =	vld.idx.msk [tilespmem:v8+s2+$0x0], $0xffff;
	[tilespmem:s26+$0x8500] =	vst v15  }
0x13c: {  	v6 =	vld.idx.msk [tilespmem:v6+s2+$0x0], $0xffff;
	[tilespmem:s26+$0x8580] =	vst v16  }
0x13d: {  	v4 =	vld.idx.msk [tilespmem:v4+s2+$0x0], $0xffff;
	[tilespmem:s26+$0x8600] =	vst v9  }
0x13e: {  	v3 =	vld.idx.msk [tilespmem:v3+s2+$0x0], $0xffff;
	[tilespmem:s26+$0x8680] =	vst v10  }
0x13f: {  	v5 =	vld.idx.msk [tilespmem:v5+s2+$0x0], $0xffff;
	[tilespmem:s26+$0x8700] =	vst v7  }
0x140: {  	s24 =	sor.u32 s22, s14;
	v2 =	vld.idx.msk [tilespmem:v2+s2+$0x0], $0xffff;
	[tilespmem:s26+$0x8780] =	vst v8  }
0x141: {  	s4 =	sor.u32 s22, s19;
	v1 =	vld.idx.msk [tilespmem:v1+s2+$0x0], $0xffff;
	[tilespmem:s24+$0x8400] =	vst v6  }
0x142: {  	s0 =	sadd.s32 s18, s0;
	s1 =	sor.u32 s22, s1;
	v0 =	vld.idx.msk [tilespmem:v0+s2+$0x0], $0xffff;
	[tilespmem:s4+$0x10480] =	vst v4  }
0x143: {  	s25 =	sadd.s32 s18, s30;
	s0 =	sor.u32 s22, s0;
	[tilespmem:s1+$0x10500] =	vst v3  }
0x144: {  	s3 =	sor.u32 s22, s25;
	s26 =	sadd.s32 s18, s29;
	[tilespmem:s0+$0x10580] =	vst v5  }
0x145: {  	s29 =	sadd.s32 s18, s28;
	[tilespmem:s3+$0x10600] =	vst v2;
	s1 =	sor.u32 s22, s26  }
0x146: {  	s0 =	sor.u32 s22, s29;
	[tilespmem:s1+$0x10680] =	vst v1  }
0x147: {  	[tilespmem:s0+$0x10700] =	vst v0  }
0x148: {  	s30 =	simm.s32 $0x10400;
	s0 =	rddreg [dreg:$0xb]  }
0x149: {  	[hbm4b:s0+s2] =	stream.linear.scatter [tilespmem:s30], [sflag:$0x1], $0x8000, $0x38;
	[tilespmem:$0x18400] =	vst v63  }
0x14a: {  	_ =	swait.ge [sflag:s20], $0x8000  }
0x14b: {  	[sflag:s20] =	ssyncset.done $0x0  }
0x14c: {  	[sflag:s20] =	ssyncadd.s32 $0xFFFF8000  }
0x14d: {  	_ =	swait.ge [sflag:s20], $0x8000  }
0x14e: {  	s21 =	sadd.s32 $0x1, s21;
	s31 =	rddreg [dreg:$0xc]  }
0x14f: {  	p0 =	sne.s32 s21, s31  }
.Ltmp4:
0x150: {  	_ = 	snop;
	(pc) =	sbr.rel @p0 .LBB2_1-.Ltmp4, $3  }
0x151: {  	_ =	sdelay $0x1  }
0x152: {  	s13 =	simm.s32 $0x80;
	[sflag:s20] =	ssyncset.done $0x0  }
0x153: {  	s17 =	simm.s32 $0x400;
	s5 =	simm.s32 $0x8000;
	[sflag:s20] =	ssyncadd.s32 $0xFFFF8000  }
0x154: {  	_ =	sfence.sel $0x180000  }
0x155: {  	[bflag:$0x0] =	sbarrier.arrive $0xFFFF  }
0x156: {  	_ =	strace $0x90000047  }
0x157: {  	s0 =	stileid.u32;
	[bflag:$0x2] =	sbarrier.arrive $0xFFFF  }
0x158: {  	p0 =	sne.s32 s0, $0x0;
	s0 =	rddreg [dreg:$0x2]  }
0x159: {  	s0 =	sadd.s32 @!p0 $0x100000, s0  }
0x15a: {  	[sflag:s0] =	ssyncadd.tile.s32 @!p0 $0x1;
	_ =	shalt  }
.Lfunc_end2:
_tile_overlayer_lowered:
.L_overlay_start_2:
0x15b: {  	(tag) =	ssettag $0x2  }
0x15c: {  	s0 =	rddreg [dreg:$0x0];
	s2 =	stileid.u32  }
0x15d: {  	s1 =	rddreg [dreg:$0x1];
	p0 =	sne.s32 s2, $0x0  }
0x15e: {  	s3 =	rddreg [dreg:$0x2];
	[bflag:$0x3] =	sbarrier.arrive $0xFFFF;
	s2 =	simm.s32 @!p0 $0x1C02  }
0x15f: {  	[timem:s3], [sflag:s2] =	dma.local @!p0 [hbm:s0], s1  }
0x160: {  	s0 =	simm.s32 @!p0 $0x2  }
0x161: {  	_ =	swait.ge @!p0 [sflag:s0], s1  }
0x162: {  	s1 =	ssub.s32 @!p0 $0x0, s1;
	[sflag:s0] =	ssyncset.done @!p0 $0x0  }
0x163: {  	[sflag:s0] =	ssyncadd.s32 @!p0 s1  }
0x164: {  	[bflag:$0x3] =	sbarrier.arrive $0xFFFF  }
0x165: {  	_ =	shalt  }

</sc_bundles>
